<compile_context>
chip_gen: v7x
topology: tpu7x:2x2x1
jax: 0.10.2.dev20260603
libtpu: 0.0.44.dev20260713+nightly
codegen_flags: <defaults>
</compile_context>

<pallas_src>
import functools

import jax
import jax.numpy as jnp
from jax import lax
from jax.experimental import pallas as pl
from jax.experimental.pallas import tpu as pltpu
from jax.experimental.pallas import tpu_sc as plsc

N_CTRS = 1000
D_IN = 64
D_OUT = 64
N_SMPS = 4096
ROW_T = 16
ROW_L = 128


_SBLK = 256
_NSB = N_SMPS // _SBLK


def _top2_body(xsq_ref, csq_ref, x_ref, ctrs_ref, idx_ref):
    xb = x_ref[...]
    cb = ctrs_ref[...]
    m = lax.dot_general(xb, cb, (((1,), (1,)), ((), ())),
                        preferred_element_type=jnp.float32)
    d2 = (xsq_ref[...] - 2.0 * m) + csq_ref[...]
    iota = lax.broadcasted_iota(jnp.int32, d2.shape, 1)
    m1 = jnp.min(d2, axis=1, keepdims=True)
    i1 = jnp.min(jnp.where(d2 == m1, iota, jnp.int32(1 << 30)),
                 axis=1, keepdims=True)
    d2b = jnp.where(iota == i1, jnp.float32(3e38), d2)
    m2 = jnp.min(d2b, axis=1, keepdims=True)
    i2 = jnp.min(jnp.where(d2b == m2, iota, jnp.int32(1 << 30)),
                 axis=1, keepdims=True)
    pad = jnp.zeros((d2.shape[0], 6), jnp.int32)
    idx_ref[...] = jnp.concatenate([i1, i2, pad], axis=1)


def _top2(x, ctrs, x_sq, c_sq):
    return pl.pallas_call(
        _top2_body,
        grid=(_NSB,),
        in_specs=[
            pl.BlockSpec((_SBLK, 1), lambda i: (i, 0)),
            pl.BlockSpec((1, N_CTRS), lambda i: (0, 0)),
            pl.BlockSpec((_SBLK, D_IN), lambda i: (i, 0)),
            pl.BlockSpec((N_CTRS, D_IN), lambda i: (0, 0)),
        ],
        out_specs=pl.BlockSpec((_SBLK, 8), lambda i: (i, 0)),
        out_shape=jax.ShapeDtypeStruct((N_SMPS, 8), jnp.int32),
    )(x_sq, c_sq, x, ctrs)



_CBLK = 200
_NCB = N_CTRS // _CBLK


def _rep_planes(v_ref, sel_ref):
    hp = lax.Precision.HIGHEST
    vs = lax.dot_general(v_ref[...], sel_ref[...], (((1,), (0,)), ((), ())),
                         precision=hp, preferred_element_type=jnp.float32)
    vel = vs[:, 0 * ROW_T:1 * ROW_T]
    vol = vs[:, 1 * ROW_T:2 * ROW_T]
    veh = vs[:, 2 * ROW_T:3 * ROW_T]
    voh = vs[:, 3 * ROW_T:4 * ROW_T]
    lane = lax.broadcasted_iota(jnp.int32, (1, 1, ROW_L), 2)
    rep_l = jnp.where(lane < D_OUT, vel[:, :, None], vol[:, :, None])
    rep_h = jnp.where(lane < D_OUT, veh[:, :, None], voh[:, :, None])
    return rep_l, rep_h


def _unpack(w_ref):
    u = lax.bitcast_convert_type(w_ref[...], jnp.int32)
    lo = lax.bitcast_convert_type(
        lax.shift_left(u, jnp.int32(16)), jnp.float32)
    hi = lax.bitcast_convert_type(
        lax.bitwise_and(u, jnp.int32(-65536)), jnp.float32)
    return lo, hi


def _bias_body(ctrs_ref, sel_ref, wpk_ref, off_ref, bias_ref):
    lo, hi = _unpack(wpk_ref)
    crep_l, crep_h = _rep_planes(ctrs_ref, sel_ref)
    q = jnp.sum(lo * crep_l + hi * crep_h, axis=1)
    cw = q[:, :D_OUT] + q[:, D_OUT:]
    b = off_ref[...] - cw
    bias_ref[...] = jnp.concatenate(
        [b, jnp.zeros((b.shape[0], 128 - D_OUT), jnp.float32)], axis=1)


def _bias_table(ctrs, sel, wtab, offsets):
    return pl.pallas_call(
        _bias_body,
        grid=(_NCB,),
        in_specs=[
            pl.BlockSpec((_CBLK, D_IN), lambda i: (i, 0)),
            pl.BlockSpec((D_IN, 4 * ROW_T), lambda i: (0, 0)),
            pl.BlockSpec((_CBLK, ROW_T, ROW_L), lambda i: (i, 0, 0)),
            pl.BlockSpec((_CBLK, D_OUT), lambda i: (i, 0)),
        ],
        out_specs=pl.BlockSpec((_CBLK, 128), lambda i: (i, 0)),
        out_shape=jax.ShapeDtypeStruct((N_CTRS, 128), jnp.float32),
    )(ctrs, sel, wtab, offsets)



_NW = 32
_NPAIR = 2 * N_SMPS
_BPW = _NPAIR // _NW
_G = 16
_NCH = _BPW // _G


def _sc_gather_w_build(npair):
    bpw = npair // _NW
    nch = bpw // _G
    mesh = plsc.VectorSubcoreMesh(core_axis_name="c", subcore_axis_name="s")

    @functools.partial(
        pl.kernel,
        mesh=mesh,
        out_type=jax.ShapeDtypeStruct((npair, ROW_T, ROW_L), jnp.float32),
        scratch_types=[
            pltpu.VMEM((bpw,), jnp.int32),
            pltpu.VMEM((_G, ROW_T, ROW_L), jnp.float32),
            pltpu.VMEM((_G, ROW_T, ROW_L), jnp.float32),
            pltpu.SemaphoreType.DMA,
            pltpu.SemaphoreType.DMA,
            pltpu.SemaphoreType.DMA,
            pltpu.SemaphoreType.DMA,
        ],
    )
    def sc_gather_w(wtab, idx, wsel, idx_v, rows0, rows1, sg0, sg1, so0, so1):
        wid = lax.axis_index("s") * 2 + lax.axis_index("c")
        base = wid * bpw
        pltpu.sync_copy(idx.at[pl.ds(base, bpw)], idx_v)

        rows = (rows0, rows1)
        sg = (sg0, sg1)
        so = (so0, so1)

        def start_gather(c, b):
            return pltpu.async_copy(
                wtab.at[idx_v.at[pl.ds(c * _G, _G)]], rows[b], sg[b])

        outs = [None, None]
        g = [None, None]
        g[0] = start_gather(0, 0)
        for c in range(nch):
            b = c & 1
            ob = b ^ 1
            g[b].wait()
            if c + 1 < nch:
                if outs[ob] is not None:
                    outs[ob].wait()
                g[ob] = start_gather(c + 1, ob)
            outs[b] = pltpu.async_copy(
                rows[b], wsel.at[pl.ds(base + c * _G, _G)], so[b])
        outs[0].wait()
        outs[1].wait()

    return sc_gather_w


def _sc_gather_b_build():
    mesh = plsc.VectorSubcoreMesh(core_axis_name="c", subcore_axis_name="s")

    @functools.partial(
        pl.kernel,
        mesh=mesh,
        out_type=jax.ShapeDtypeStruct((_NPAIR, 128), jnp.float32),
        scratch_types=[
            pltpu.VMEM((_BPW,), jnp.int32),
            pltpu.VMEM((_BPW, 128), jnp.float32),
            pltpu.SemaphoreType.DMA,
        ],
    )
    def sc_gather_b(bias, idx, bsel, idx_v, brows_v, sg0):
        wid = lax.axis_index("s") * 2 + lax.axis_index("c")
        base = wid * _BPW
        pltpu.sync_copy(idx.at[pl.ds(base, _BPW)], idx_v)
        pltpu.async_copy(bias.at[idx_v], brows_v, sg0).wait()
        pltpu.sync_copy(brows_v, bsel.at[pl.ds(base, _BPW)])

    return sc_gather_b


_sc_gather_w = _sc_gather_w_build(_NPAIR)
_sc_gather_b = _sc_gather_b_build()



_KBLK = 512
_NKB = N_SMPS // _KBLK


def _combine_body(x_ref, sel_ref, wa_ref, wb_ref, ba_ref, bb_ref, yt_ref):
    xrep_l, xrep_h = _rep_planes(x_ref, sel_ref)
    lo_a, hi_a = _unpack(wa_ref)
    lo_b, hi_b = _unpack(wb_ref)
    q = jnp.sum((lo_a + lo_b) * xrep_l + (hi_a + hi_b) * xrep_h, axis=1)
    y = q[:, :D_OUT] + q[:, D_OUT:]
    y = y + ba_ref[...][:, :D_OUT] + bb_ref[...][:, :D_OUT]
    yt_ref[...] = y.T


def _combine(x, sel, wsel, bsel):
    hb = N_SMPS // _KBLK
    return pl.pallas_call(
        _combine_body,
        grid=(_NKB,),
        in_specs=[
            pl.BlockSpec((_KBLK, D_IN), lambda i: (i, 0)),
            pl.BlockSpec((D_IN, 4 * ROW_T), lambda i: (0, 0)),
            pl.BlockSpec((_KBLK, ROW_T, ROW_L), lambda i: (i, 0, 0)),
            pl.BlockSpec((_KBLK, ROW_T, ROW_L), lambda i: (i + hb, 0, 0)),
            pl.BlockSpec((_KBLK, 128), lambda i: (i, 0)),
            pl.BlockSpec((_KBLK, 128), lambda i: (i + hb, 0)),
        ],
        out_specs=pl.BlockSpec((D_OUT, _KBLK), lambda i: (0, i)),
        out_shape=jax.ShapeDtypeStruct((D_OUT, N_SMPS), jnp.float32),
    )(x, sel, wsel, wsel, bsel, bsel)




def kernel(x, ctrs, wts, offsets):
    x_sq = jnp.sum(x * x, axis=1, keepdims=True)
    c_sq = jnp.sum(ctrs * ctrs, axis=1)[None, :]
    idx8 = _top2(x, ctrs, x_sq, c_sq)
    idx_flat = jnp.concatenate([idx8[:, 0], idx8[:, 1]])

    u = lax.bitcast_convert_type(wts, jnp.int32)
    r = u + jnp.int32(0x7FFF) + lax.bitwise_and(
        lax.shift_right_arithmetic(u, jnp.int32(16)), jnp.int32(1))
    r5 = r.reshape(N_CTRS, 2, ROW_T, 2, D_OUT)
    pk = lax.bitwise_or(
        lax.shift_right_logical(r5[:, 0], jnp.int32(16)),
        lax.bitwise_and(r5[:, 1], jnp.int32(-65536)))
    wtab = lax.bitcast_convert_type(
        pk.reshape(N_CTRS, ROW_T, ROW_L), jnp.float32)

    eye = jnp.eye(D_IN, dtype=jnp.float32)
    sel = jnp.concatenate(
        [eye[:, 0:2 * ROW_T:2], eye[:, 1:2 * ROW_T:2],
         eye[:, 2 * ROW_T::2], eye[:, 2 * ROW_T + 1::2]], axis=1)

    wsel = _sc_gather_w(wtab, idx_flat)
    bias = _bias_table(ctrs, sel, wtab, offsets)
    bsel = _sc_gather_b(bias, idx_flat)
    return _combine(x, sel, wsel, bsel).T

# --- scband reference (transcript-rebuilt; emitter-appended) ---
"""Pipeline reference for scband-pwlnnfcn-41059887349838 (READ-ONLY COPY).

The authoritative reference and input builder live on the scoring server;
editing this copy changes nothing except your own understanding.
"""

import jax, jax.numpy as jnp
import numpy as np

N_CTRS = 1000
D_IN = 64
D_OUT = 64
N_SMPS = 4096
K = 2


def setup_inputs(seed: int = 0) -> dict:
    key = jax.random.key(seed)
    k1, k2, k3, k4 = jax.random.split(key, 4)
    x = jax.random.uniform(k1, (N_SMPS, D_IN), dtype=jnp.float32)
    ctrs = jax.random.uniform(k2, (N_CTRS, D_IN), dtype=jnp.float32)
    wts = jax.random.normal(k3, (N_CTRS, D_IN, D_OUT), dtype=jnp.float32) * 0.02
    offsets = jax.random.normal(k4, (N_CTRS, D_OUT), dtype=jnp.float32) * 0.02
    return {"x": x, "ctrs": ctrs, "wts": wts, "offsets": offsets}


def _knn_indices(x, ctrs, k):
    # Brute-force squared-Euclidean k-NN, equivalent to knn_do with all
    # centers used (n_used_fcns == n_ctrs => no dropout). Chunking by m is a
    # memory optimization only; results are identical.
    x_sq = jnp.sum(x * x, axis=1, keepdims=True)            # [n_smps, 1]
    c_sq = jnp.sum(ctrs * ctrs, axis=1)[None, :]            # [1, n_ctrs]
    d2 = x_sq - 2.0 * (x @ ctrs.T) + c_sq                   # [n_smps, n_ctrs]
    _, idx = jax.lax.top_k(-d2, k)                          # [n_smps, k] smallest distances
    return idx.T                                            # [k, n_smps]


def reference(x, ctrs, wts, offsets):
    # k-NN search is done under no_grad in the original torch module.
    top_k_indices = _knn_indices(jax.lax.stop_gradient(x), jax.lax.stop_gradient(ctrs), K)
    # Gather per-neighbor parameters (SparseCore-friendly gathers).
    selected_wts = jnp.take(wts, top_k_indices, axis=0)     # [k, n_smps, d_in, d_out]
    selected_ctrs = jnp.take(ctrs, top_k_indices, axis=0)   # [k, n_smps, d_in]
    selected_off = jnp.take(offsets, top_k_indices, axis=0) # [k, n_smps, d_out]
    applied_wts = jnp.sum(selected_wts, axis=0)             # [n_smps, d_in, d_out]
    applied_offsets = jnp.sum(selected_off, axis=0) - jnp.sum(
        jnp.sum(selected_wts * selected_ctrs[:, :, :, None], axis=0), axis=1
    )                                                       # [n_smps, d_out]
    y = jnp.sum(applied_wts * x[:, :, None], axis=1) + applied_offsets
    return y

if __name__ == "__main__":
    import jax
    _d = setup_inputs()
    print(jax.jit(kernel)(*tuple(_d.values())))

</pallas_src>

<mosaic_0001>
#map = affine_map<(d0, d1) -> (0, 0)>
#map1 = affine_map<(d0, d1) -> (0)>
module attributes {stable_mosaic.version = 14 : i64} {
  func.func @sc_gather_b(%arg0: i32, %arg1: i32, %arg2: memref<1000x128xf32, #tpu.memory_space<hbm>>, %arg3: memref<8192xi32, #tpu.memory_space<hbm>>, %arg4: memref<8192x128xf32, #tpu.memory_space<hbm>>, %arg5: memref<256xi32, #tpu.memory_space<vmem>>, %arg6: memref<256x128xf32, #tpu.memory_space<vmem>>, %arg7: memref<!tpu.dma_semaphore, #tpu.memory_space<semaphore_mem>>) attributes {dimension_semantics = [#tpu.dimension_semantics<core_parallel>, #tpu.dimension_semantics<subcore_parallel>], iteration_bounds = array<i64: 2, 16>, scalar_prefetch = 0 : i64, scratch_operands = 3 : i64, tpu.core_type = #tpu.core_type<sc_vector_subcore>, window_params = [{transform_indices = #map}, {transform_indices = #map1}, {transform_indices = #map}]} {
    %mul3A = arith.constant 2 : i32
    %mul3A_0 = arith.muli %arg1, %mul3A : i32
    %add3A = arith.addi %mul3A_0, %arg0 : i32
    %mul3A_1 = arith.constant 256 : i32
    %mul3A_2 = arith.muli %add3A, %mul3A_1 : i32
    "tpu.region"() ({
      %run_scoped3A = tpu.sem_alloc : memref<!tpu.dma_semaphore, #tpu.memory_space<semaphore_mem>>
      %dma_start3A_7 = tpu.memref_slice %arg3[%mul3A_2] : memref<8192xi32, #tpu.memory_space<hbm>> -> memref<256xi32, #tpu.memory_space<hbm>>
      %dma_start3A_8 = tpu.memref_slice %arg3[%mul3A_2] : memref<8192xi32, #tpu.memory_space<hbm>> -> memref<256xi32, #tpu.memory_space<hbm>>
      tpu.enqueue_dma source(%dma_start3A_8 : memref<256xi32, #tpu.memory_space<hbm>>) target(%arg5 : memref<256xi32, #tpu.memory_space<vmem>>) target_semaphore(%run_scoped3A : memref<!tpu.dma_semaphore, #tpu.memory_space<semaphore_mem>>)
      %dma_wait3A_9 = tpu.memref_slice %arg3[%mul3A_2] : memref<8192xi32, #tpu.memory_space<hbm>> -> memref<256xi32, #tpu.memory_space<hbm>>
      %dma_wait3A_10 = tpu.memref_slice %arg3[%mul3A_2] : memref<8192xi32, #tpu.memory_space<hbm>> -> memref<256xi32, #tpu.memory_space<hbm>>
      tpu.wait_dma2 semaphore(%run_scoped3A : memref<!tpu.dma_semaphore, #tpu.memory_space<semaphore_mem>>) src(%dma_wait3A_10 : memref<256xi32, #tpu.memory_space<hbm>>) dst(%arg5 : memref<256xi32, #tpu.memory_space<vmem>>)
      tpu.yield
    }) : () -> ()
    %dma_start3A = arith.constant 0 : i32
    %dma_start3A_3 = arith.constant 0 : i32
    %dma_start3A_4 = tpu.memref_slice %arg2[%dma_start3A, %dma_start3A_3] : memref<1000x128xf32, #tpu.memory_space<hbm>> -> memref<1000x128xf32, #tpu.memory_space<hbm>>
    tpu.enqueue_indirect_dma source(%dma_start3A_4 : memref<1000x128xf32, #tpu.memory_space<hbm>>) target(%arg6 : memref<256x128xf32, #tpu.memory_space<vmem>>) offsets(%arg5 : memref<256xi32, #tpu.memory_space<vmem>>) semaphore(%arg7 : memref<!tpu.dma_semaphore, #tpu.memory_space<semaphore_mem>>)
    %dma_wait3A = arith.constant 0 : i32
    %dma_wait3A_5 = arith.constant 0 : i32
    %dma_wait3A_6 = tpu.memref_slice %arg2[%dma_wait3A, %dma_wait3A_5] : memref<1000x128xf32, #tpu.memory_space<hbm>> -> memref<1000x128xf32, #tpu.memory_space<hbm>>
    tpu.wait_indirect_dma semaphore(%arg7 : memref<!tpu.dma_semaphore, #tpu.memory_space<semaphore_mem>>) src(%dma_wait3A_6 : memref<1000x128xf32, #tpu.memory_space<hbm>>) dst(%arg6 : memref<256x128xf32, #tpu.memory_space<vmem>>)
    "tpu.region"() ({
      %run_scoped3A = tpu.sem_alloc : memref<!tpu.dma_semaphore, #tpu.memory_space<semaphore_mem>>
      %dma_start3A_7 = arith.constant 0 : i32
      %dma_start3A_8 = tpu.memref_slice %arg4[%mul3A_2, %dma_start3A_7] : memref<8192x128xf32, #tpu.memory_space<hbm>> -> memref<256x128xf32, #tpu.memory_space<hbm>>
      %dma_start3A_9 = arith.constant 0 : i32
      %dma_start3A_10 = tpu.memref_slice %arg4[%mul3A_2, %dma_start3A_9] : memref<8192x128xf32, #tpu.memory_space<hbm>> -> memref<256x128xf32, #tpu.memory_space<hbm>>
      tpu.enqueue_dma source(%arg6 : memref<256x128xf32, #tpu.memory_space<vmem>>) target(%dma_start3A_10 : memref<256x128xf32, #tpu.memory_space<hbm>>) target_semaphore(%run_scoped3A : memref<!tpu.dma_semaphore, #tpu.memory_space<semaphore_mem>>)
      %dma_wait3A_11 = arith.constant 0 : i32
      %dma_wait3A_12 = tpu.memref_slice %arg4[%mul3A_2, %dma_wait3A_11] : memref<8192x128xf32, #tpu.memory_space<hbm>> -> memref<256x128xf32, #tpu.memory_space<hbm>>
      %dma_wait3A_13 = arith.constant 0 : i32
      %dma_wait3A_14 = tpu.memref_slice %arg4[%mul3A_2, %dma_wait3A_13] : memref<8192x128xf32, #tpu.memory_space<hbm>> -> memref<256x128xf32, #tpu.memory_space<hbm>>
      tpu.wait_dma2 semaphore(%run_scoped3A : memref<!tpu.dma_semaphore, #tpu.memory_space<semaphore_mem>>) src(%arg6 : memref<256x128xf32, #tpu.memory_space<vmem>>) dst(%dma_wait3A_14 : memref<256x128xf32, #tpu.memory_space<hbm>>)
      tpu.yield
    }) : () -> ()
    return
  }
}

#map = affine_map<(d0, d1) -> (0, 0, 0)>
#map1 = affine_map<(d0, d1) -> (0)>
module attributes {stable_mosaic.version = 14 : i64} {
  func.func @sc_gather_w(%arg0: i32, %arg1: i32, %arg2: memref<1000x16x128xf32, #tpu.memory_space<hbm>>, %arg3: memref<8192xi32, #tpu.memory_space<hbm>>, %arg4: memref<8192x16x128xf32, #tpu.memory_space<hbm>>, %arg5: memref<256xi32, #tpu.memory_space<vmem>>, %arg6: memref<16x16x128xf32, #tpu.memory_space<vmem>>, %arg7: memref<16x16x128xf32, #tpu.memory_space<vmem>>, %arg8: memref<!tpu.dma_semaphore, #tpu.memory_space<semaphore_mem>>, %arg9: memref<!tpu.dma_semaphore, #tpu.memory_space<semaphore_mem>>, %arg10: memref<!tpu.dma_semaphore, #tpu.memory_space<semaphore_mem>>, %arg11: memref<!tpu.dma_semaphore, #tpu.memory_space<semaphore_mem>>) attributes {dimension_semantics = [#tpu.dimension_semantics<core_parallel>, #tpu.dimension_semantics<subcore_parallel>], iteration_bounds = array<i64: 2, 16>, scalar_prefetch = 0 : i64, scratch_operands = 7 : i64, tpu.core_type = #tpu.core_type<sc_vector_subcore>, window_params = [{transform_indices = #map}, {transform_indices = #map1}, {transform_indices = #map}]} {
    %mul3A = arith.constant 2 : i32
    %mul3A_0 = arith.muli %arg1, %mul3A : i32
    %add3A = arith.addi %mul3A_0, %arg0 : i32
    %mul3A_1 = arith.constant 256 : i32
    %mul3A_2 = arith.muli %add3A, %mul3A_1 : i32
    "tpu.region"() ({
      %run_scoped3A = tpu.sem_alloc : memref<!tpu.dma_semaphore, #tpu.memory_space<semaphore_mem>>
      %dma_start3A_417 = tpu.memref_slice %arg3[%mul3A_2] : memref<8192xi32, #tpu.memory_space<hbm>> -> memref<256xi32, #tpu.memory_space<hbm>>
      %dma_start3A_418 = tpu.memref_slice %arg3[%mul3A_2] : memref<8192xi32, #tpu.memory_space<hbm>> -> memref<256xi32, #tpu.memory_space<hbm>>
      tpu.enqueue_dma source(%dma_start3A_418 : memref<256xi32, #tpu.memory_space<hbm>>) target(%arg5 : memref<256xi32, #tpu.memory_space<vmem>>) target_semaphore(%run_scoped3A : memref<!tpu.dma_semaphore, #tpu.memory_space<semaphore_mem>>)
      %dma_wait3A_419 = tpu.memref_slice %arg3[%mul3A_2] : memref<8192xi32, #tpu.memory_space<hbm>> -> memref<256xi32, #tpu.memory_space<hbm>>
      %dma_wait3A_420 = tpu.memref_slice %arg3[%mul3A_2] : memref<8192xi32, #tpu.memory_space<hbm>> -> memref<256xi32, #tpu.memory_space<hbm>>
      tpu.wait_dma2 semaphore(%run_scoped3A : memref<!tpu.dma_semaphore, #tpu.memory_space<semaphore_mem>>) src(%dma_wait3A_420 : memref<256xi32, #tpu.memory_space<hbm>>) dst(%arg5 : memref<256xi32, #tpu.memory_space<vmem>>)
      tpu.yield
    }) : () -> ()
    %dma_start3A = arith.constant 0 : i32
    %dma_start3A_3 = tpu.memref_slice %arg5[%dma_start3A] : memref<256xi32, #tpu.memory_space<vmem>> -> memref<16xi32, #tpu.memory_space<vmem>>
    %dma_start3A_4 = arith.constant 0 : i32
    %dma_start3A_5 = arith.constant 0 : i32
    %dma_start3A_6 = arith.constant 0 : i32
    %dma_start3A_7 = tpu.memref_slice %arg2[%dma_start3A_4, %dma_start3A_5, %dma_start3A_6] : memref<1000x16x128xf32, #tpu.memory_space<hbm>> -> memref<1000x16x128xf32, #tpu.memory_space<hbm>>
    tpu.enqueue_indirect_dma source(%dma_start3A_7 : memref<1000x16x128xf32, #tpu.memory_space<hbm>>) target(%arg6 : memref<16x16x128xf32, #tpu.memory_space<vmem>>) offsets(%dma_start3A_3 : memref<16xi32, #tpu.memory_space<vmem>>) semaphore(%arg8 : memref<!tpu.dma_semaphore, #tpu.memory_space<semaphore_mem>>)
    %dma_wait3A = arith.constant 0 : i32
    %dma_wait3A_8 = tpu.memref_slice %arg5[%dma_wait3A] : memref<256xi32, #tpu.memory_space<vmem>> -> memref<16xi32, #tpu.memory_space<vmem>>
    %dma_wait3A_9 = arith.constant 0 : i32
    %dma_wait3A_10 = arith.constant 0 : i32
    %dma_wait3A_11 = arith.constant 0 : i32
    %dma_wait3A_12 = tpu.memref_slice %arg2[%dma_wait3A_9, %dma_wait3A_10, %dma_wait3A_11] : memref<1000x16x128xf32, #tpu.memory_space<hbm>> -> memref<1000x16x128xf32, #tpu.memory_space<hbm>>
    tpu.wait_indirect_dma semaphore(%arg8 : memref<!tpu.dma_semaphore, #tpu.memory_space<semaphore_mem>>) src(%dma_wait3A_12 : memref<1000x16x128xf32, #tpu.memory_space<hbm>>) dst(%arg6 : memref<16x16x128xf32, #tpu.memory_space<vmem>>)
    %dma_start3A_13 = arith.constant 16 : i32
    %dma_start3A_14 = tpu.memref_slice %arg5[%dma_start3A_13] : memref<256xi32, #tpu.memory_space<vmem>> -> memref<16xi32, #tpu.memory_space<vmem>>
    %dma_start3A_15 = arith.constant 0 : i32
    %dma_start3A_16 = arith.constant 0 : i32
    %dma_start3A_17 = arith.constant 0 : i32
    %dma_start3A_18 = tpu.memref_slice %arg2[%dma_start3A_15, %dma_start3A_16, %dma_start3A_17] : memref<1000x16x128xf32, #tpu.memory_space<hbm>> -> memref<1000x16x128xf32, #tpu.memory_space<hbm>>
    tpu.enqueue_indirect_dma source(%dma_start3A_18 : memref<1000x16x128xf32, #tpu.memory_space<hbm>>) target(%arg7 : memref<16x16x128xf32, #tpu.memory_space<vmem>>) offsets(%dma_start3A_14 : memref<16xi32, #tpu.memory_space<vmem>>) semaphore(%arg9 : memref<!tpu.dma_semaphore, #tpu.memory_space<semaphore_mem>>)
    %add3A_19 = arith.constant 0 : i32
    %add3A_20 = arith.addi %mul3A_2, %add3A_19 : i32
    %dma_start3A_21 = arith.constant 0 : i32
    %dma_start3A_22 = arith.constant 0 : i32
    %dma_start3A_23 = tpu.memref_slice %arg4[%add3A_20, %dma_start3A_21, %dma_start3A_22] : memref<8192x16x128xf32, #tpu.memory_space<hbm>> -> memref<16x16x128xf32, #tpu.memory_space<hbm>>
    %dma_start3A_24 = arith.constant 0 : i32
    %dma_start3A_25 = arith.constant 0 : i32
    %dma_start3A_26 = tpu.memref_slice %arg4[%add3A_20, %dma_start3A_24, %dma_start3A_25] : memref<8192x16x128xf32, #tpu.memory_space<hbm>> -> memref<16x16x128xf32, #tpu.memory_space<hbm>>
    tpu.enqueue_dma source(%arg6 : memref<16x16x128xf32, #tpu.memory_space<vmem>>) target(%dma_start3A_26 : memref<16x16x128xf32, #tpu.memory_space<hbm>>) target_semaphore(%arg10 : memref<!tpu.dma_semaphore, #tpu.memory_space<semaphore_mem>>)
    %dma_wait3A_27 = arith.constant 16 : i32
    %dma_wait3A_28 = tpu.memref_slice %arg5[%dma_wait3A_27] : memref<256xi32, #tpu.memory_space<vmem>> -> memref<16xi32, #tpu.memory_space<vmem>>
    %dma_wait3A_29 = arith.constant 0 : i32
    %dma_wait3A_30 = arith.constant 0 : i32
    %dma_wait3A_31 = arith.constant 0 : i32
    %dma_wait3A_32 = tpu.memref_slice %arg2[%dma_wait3A_29, %dma_wait3A_30, %dma_wait3A_31] : memref<1000x16x128xf32, #tpu.memory_space<hbm>> -> memref<1000x16x128xf32, #tpu.memory_space<hbm>>
    tpu.wait_indirect_dma semaphore(%arg9 : memref<!tpu.dma_semaphore, #tpu.memory_space<semaphore_mem>>) src(%dma_wait3A_32 : memref<1000x16x128xf32, #tpu.memory_space<hbm>>) dst(%arg7 : memref<16x16x128xf32, #tpu.memory_space<vmem>>)
    %dma_wait3A_33 = arith.constant 0 : i32
    %dma_wait3A_34 = arith.constant 0 : i32
    %dma_wait3A_35 = tpu.memref_slice %arg4[%add3A_20, %dma_wait3A_33, %dma_wait3A_34] : memref<8192x16x128xf32, #tpu.memory_space<hbm>> -> memref<16x16x128xf32, #tpu.memory_space<hbm>>
    %dma_wait3A_36 = arith.constant 0 : i32
    %dma_wait3A_37 = arith.constant 0 : i32
    %dma_wait3A_38 = tpu.memref_slice %arg4[%add3A_20, %dma_wait3A_36, %dma_wait3A_37] : memref<8192x16x128xf32, #tpu.memory_space<hbm>> -> memref<16x16x128xf32, #tpu.memory_space<hbm>>
    tpu.wait_dma2 semaphore(%arg10 : memref<!tpu.dma_semaphore, #tpu.memory_space<semaphore_mem>>) src(%arg6 : memref<16x16x128xf32, #tpu.memory_space<vmem>>) dst(%dma_wait3A_38 : memref<16x16x128xf32, #tpu.memory_space<hbm>>)
    %dma_start3A_39 = arith.constant 32 : i32
    %dma_start3A_40 = tpu.memref_slice %arg5[%dma_start3A_39] : memref<256xi32, #tpu.memory_space<vmem>> -> memref<16xi32, #tpu.memory_space<vmem>>
    %dma_start3A_41 = arith.constant 0 : i32
    %dma_start3A_42 = arith.constant 0 : i32
    %dma_start3A_43 = arith.constant 0 : i32
    %dma_start3A_44 = tpu.memref_slice %arg2[%dma_start3A_41, %dma_start3A_42, %dma_start3A_43] : memref<1000x16x128xf32, #tpu.memory_space<hbm>> -> memref<1000x16x128xf32, #tpu.memory_space<hbm>>
    tpu.enqueue_indirect_dma source(%dma_start3A_44 : memref<1000x16x128xf32, #tpu.memory_space<hbm>>) target(%arg6 : memref<16x16x128xf32, #tpu.memory_space<vmem>>) offsets(%dma_start3A_40 : memref<16xi32, #tpu.memory_space<vmem>>) semaphore(%arg8 : memref<!tpu.dma_semaphore, #tpu.memory_space<semaphore_mem>>)
    %add3A_45 = arith.constant 16 : i32
    %add3A_46 = arith.addi %mul3A_2, %add3A_45 : i32
    %dma_start3A_47 = arith.constant 0 : i32
    %dma_start3A_48 = arith.constant 0 : i32
    %dma_start3A_49 = tpu.memref_slice %arg4[%add3A_46, %dma_start3A_47, %dma_start3A_48] : memref<8192x16x128xf32, #tpu.memory_space<hbm>> -> memref<16x16x128xf32, #tpu.memory_space<hbm>>
    %dma_start3A_50 = arith.constant 0 : i32
    %dma_start3A_51 = arith.constant 0 : i32
    %dma_start3A_52 = tpu.memref_slice %arg4[%add3A_46, %dma_start3A_50, %dma_start3A_51] : memref<8192x16x128xf32, #tpu.memory_space<hbm>> -> memref<16x16x128xf32, #tpu.memory_space<hbm>>
    tpu.enqueue_dma source(%arg7 : memref<16x16x128xf32, #tpu.memory_space<vmem>>) target(%dma_start3A_52 : memref<16x16x128xf32, #tpu.memory_space<hbm>>) target_semaphore(%arg11 : memref<!tpu.dma_semaphore, #tpu.memory_space<semaphore_mem>>)
    %dma_wait3A_53 = arith.constant 32 : i32
    %dma_wait3A_54 = tpu.memref_slice %arg5[%dma_wait3A_53] : memref<256xi32, #tpu.memory_space<vmem>> -> memref<16xi32, #tpu.memory_space<vmem>>
    %dma_wait3A_55 = arith.constant 0 : i32
    %dma_wait3A_56 = arith.constant 0 : i32
    %dma_wait3A_57 = arith.constant 0 : i32
    %dma_wait3A_58 = tpu.memref_slice %arg2[%dma_wait3A_55, %dma_wait3A_56, %dma_wait3A_57] : memref<1000x16x128xf32, #tpu.memory_space<hbm>> -> memref<1000x16x128xf32, #tpu.memory_space<hbm>>
    tpu.wait_indirect_dma semaphore(%arg8 : memref<!tpu.dma_semaphore, #tpu.memory_space<semaphore_mem>>) src(%dma_wait3A_58 : memref<1000x16x128xf32, #tpu.memory_space<hbm>>) dst(%arg6 : memref<16x16x128xf32, #tpu.memory_space<vmem>>)
    %dma_wait3A_59 = arith.constant 0 : i32
    %dma_wait3A_60 = arith.constant 0 : i32
    %dma_wait3A_61 = tpu.memref_slice %arg4[%add3A_46, %dma_wait3A_59, %dma_wait3A_60] : memref<8192x16x128xf32, #tpu.memory_space<hbm>> -> memref<16x16x128xf32, #tpu.memory_space<hbm>>
    %dma_wait3A_62 = arith.constant 0 : i32
    %dma_wait3A_63 = arith.constant 0 : i32
    %dma_wait3A_64 = tpu.memref_slice %arg4[%add3A_46, %dma_wait3A_62, %dma_wait3A_63] : memref<8192x16x128xf32, #tpu.memory_space<hbm>> -> memref<16x16x128xf32, #tpu.memory_space<hbm>>
    tpu.wait_dma2 semaphore(%arg11 : memref<!tpu.dma_semaphore, #tpu.memory_space<semaphore_mem>>) src(%arg7 : memref<16x16x128xf32, #tpu.memory_space<vmem>>) dst(%dma_wait3A_64 : memref<16x16x128xf32, #tpu.memory_space<hbm>>)
    %dma_start3A_65 = arith.constant 48 : i32
    %dma_start3A_66 = tpu.memref_slice %arg5[%dma_start3A_65] : memref<256xi32, #tpu.memory_space<vmem>> -> memref<16xi32, #tpu.memory_space<vmem>>
    %dma_start3A_67 = arith.constant 0 : i32
    %dma_start3A_68 = arith.constant 0 : i32
    %dma_start3A_69 = arith.constant 0 : i32
    %dma_start3A_70 = tpu.memref_slice %arg2[%dma_start3A_67, %dma_start3A_68, %dma_start3A_69] : memref<1000x16x128xf32, #tpu.memory_space<hbm>> -> memref<1000x16x128xf32, #tpu.memory_space<hbm>>
    tpu.enqueue_indirect_dma source(%dma_start3A_70 : memref<1000x16x128xf32, #tpu.memory_space<hbm>>) target(%arg7 : memref<16x16x128xf32, #tpu.memory_space<vmem>>) offsets(%dma_start3A_66 : memref<16xi32, #tpu.memory_space<vmem>>) semaphore(%arg9 : memref<!tpu.dma_semaphore, #tpu.memory_space<semaphore_mem>>)
    %add3A_71 = arith.constant 32 : i32
    %add3A_72 = arith.addi %mul3A_2, %add3A_71 : i32
    %dma_start3A_73 = arith.constant 0 : i32
    %dma_start3A_74 = arith.constant 0 : i32
    %dma_start3A_75 = tpu.memref_slice %arg4[%add3A_72, %dma_start3A_73, %dma_start3A_74] : memref<8192x16x128xf32, #tpu.memory_space<hbm>> -> memref<16x16x128xf32, #tpu.memory_space<hbm>>
    %dma_start3A_76 = arith.constant 0 : i32
    %dma_start3A_77 = arith.constant 0 : i32
    %dma_start3A_78 = tpu.memref_slice %arg4[%add3A_72, %dma_start3A_76, %dma_start3A_77] : memref<8192x16x128xf32, #tpu.memory_space<hbm>> -> memref<16x16x128xf32, #tpu.memory_space<hbm>>
    tpu.enqueue_dma source(%arg6 : memref<16x16x128xf32, #tpu.memory_space<vmem>>) target(%dma_start3A_78 : memref<16x16x128xf32, #tpu.memory_space<hbm>>) target_semaphore(%arg10 : memref<!tpu.dma_semaphore, #tpu.memory_space<semaphore_mem>>)
    %dma_wait3A_79 = arith.constant 48 : i32
    %dma_wait3A_80 = tpu.memref_slice %arg5[%dma_wait3A_79] : memref<256xi32, #tpu.memory_space<vmem>> -> memref<16xi32, #tpu.memory_space<vmem>>
    %dma_wait3A_81 = arith.constant 0 : i32
    %dma_wait3A_82 = arith.constant 0 : i32
    %dma_wait3A_83 = arith.constant 0 : i32
    %dma_wait3A_84 = tpu.memref_slice %arg2[%dma_wait3A_81, %dma_wait3A_82, %dma_wait3A_83] : memref<1000x16x128xf32, #tpu.memory_space<hbm>> -> memref<1000x16x128xf32, #tpu.memory_space<hbm>>
    tpu.wait_indirect_dma semaphore(%arg9 : memref<!tpu.dma_semaphore, #tpu.memory_space<semaphore_mem>>) src(%dma_wait3A_84 : memref<1000x16x128xf32, #tpu.memory_space<hbm>>) dst(%arg7 : memref<16x16x128xf32, #tpu.memory_space<vmem>>)
    %dma_wait3A_85 = arith.constant 0 : i32
    %dma_wait3A_86 = arith.constant 0 : i32
    %dma_wait3A_87 = tpu.memref_slice %arg4[%add3A_72, %dma_wait3A_85, %dma_wait3A_86] : memref<8192x16x128xf32, #tpu.memory_space<hbm>> -> memref<16x16x128xf32, #tpu.memory_space<hbm>>
    %dma_wait3A_88 = arith.constant 0 : i32
    %dma_wait3A_89 = arith.constant 0 : i32
    %dma_wait3A_90 = tpu.memref_slice %arg4[%add3A_72, %dma_wait3A_88, %dma_wait3A_89] : memref<8192x16x128xf32, #tpu.memory_space<hbm>> -> memref<16x16x128xf32, #tpu.memory_space<hbm>>
    tpu.wait_dma2 semaphore(%arg10 : memref<!tpu.dma_semaphore, #tpu.memory_space<semaphore_mem>>) src(%arg6 : memref<16x16x128xf32, #tpu.memory_space<vmem>>) dst(%dma_wait3A_90 : memref<16x16x128xf32, #tpu.memory_space<hbm>>)
    %dma_start3A_91 = arith.constant 64 : i32
    %dma_start3A_92 = tpu.memref_slice %arg5[%dma_start3A_91] : memref<256xi32, #tpu.memory_space<vmem>> -> memref<16xi32, #tpu.memory_space<vmem>>
    %dma_start3A_93 = arith.constant 0 : i32
    %dma_start3A_94 = arith.constant 0 : i32
    %dma_start3A_95 = arith.constant 0 : i32
    %dma_start3A_96 = tpu.memref_slice %arg2[%dma_start3A_93, %dma_start3A_94, %dma_start3A_95] : memref<1000x16x128xf32, #tpu.memory_space<hbm>> -> memref<1000x16x128xf32, #tpu.memory_space<hbm>>
    tpu.enqueue_indirect_dma source(%dma_start3A_96 : memref<1000x16x128xf32, #tpu.memory_space<hbm>>) target(%arg6 : memref<16x16x128xf32, #tpu.memory_space<vmem>>) offsets(%dma_start3A_92 : memref<16xi32, #tpu.memory_space<vmem>>) semaphore(%arg8 : memref<!tpu.dma_semaphore, #tpu.memory_space<semaphore_mem>>)
    %add3A_97 = arith.constant 48 : i32
    %add3A_98 = arith.addi %mul3A_2, %add3A_97 : i32
    %dma_start3A_99 = arith.constant 0 : i32
    %dma_start3A_100 = arith.constant 0 : i32
    %dma_start3A_101 = tpu.memref_slice %arg4[%add3A_98, %dma_start3A_99, %dma_start3A_100] : memref<8192x16x128xf32, #tpu.memory_space<hbm>> -> memref<16x16x128xf32, #tpu.memory_space<hbm>>
    %dma_start3A_102 = arith.constant 0 : i32
    %dma_start3A_103 = arith.constant 0 : i32
    %dma_start3A_104 = tpu.memref_slice %arg4[%add3A_98, %dma_start3A_102, %dma_start3A_103] : memref<8192x16x128xf32, #tpu.memory_space<hbm>> -> memref<16x16x128xf32, #tpu.memory_space<hbm>>
    tpu.enqueue_dma source(%arg7 : memref<16x16x128xf32, #tpu.memory_space<vmem>>) target(%dma_start3A_104 : memref<16x16x128xf32, #tpu.memory_space<hbm>>) target_semaphore(%arg11 : memref<!tpu.dma_semaphore, #tpu.memory_space<semaphore_mem>>)
    %dma_wait3A_105 = arith.constant 64 : i32
    %dma_wait3A_106 = tpu.memref_slice %arg5[%dma_wait3A_105] : memref<256xi32, #tpu.memory_space<vmem>> -> memref<16xi32, #tpu.memory_space<vmem>>
    %dma_wait3A_107 = arith.constant 0 : i32
    %dma_wait3A_108 = arith.constant 0 : i32
    %dma_wait3A_109 = arith.constant 0 : i32
    %dma_wait3A_110 = tpu.memref_slice %arg2[%dma_wait3A_107, %dma_wait3A_108, %dma_wait3A_109] : memref<1000x16x128xf32, #tpu.memory_space<hbm>> -> memref<1000x16x128xf32, #tpu.memory_space<hbm>>
    tpu.wait_indirect_dma semaphore(%arg8 : memref<!tpu.dma_semaphore, #tpu.memory_space<semaphore_mem>>) src(%dma_wait3A_110 : memref<1000x16x128xf32, #tpu.memory_space<hbm>>) dst(%arg6 : memref<16x16x128xf32, #tpu.memory_space<vmem>>)
    %dma_wait3A_111 = arith.constant 0 : i32
    %dma_wait3A_112 = arith.constant 0 : i32
    %dma_wait3A_113 = tpu.memref_slice %arg4[%add3A_98, %dma_wait3A_111, %dma_wait3A_112] : memref<8192x16x128xf32, #tpu.memory_space<hbm>> -> memref<16x16x128xf32, #tpu.memory_space<hbm>>
    %dma_wait3A_114 = arith.constant 0 : i32
    %dma_wait3A_115 = arith.constant 0 : i32
    %dma_wait3A_116 = tpu.memref_slice %arg4[%add3A_98, %dma_wait3A_114, %dma_wait3A_115] : memref<8192x16x128xf32, #tpu.memory_space<hbm>> -> memref<16x16x128xf32, #tpu.memory_space<hbm>>
    tpu.wait_dma2 semaphore(%arg11 : memref<!tpu.dma_semaphore, #tpu.memory_space<semaphore_mem>>) src(%arg7 : memref<16x16x128xf32, #tpu.memory_space<vmem>>) dst(%dma_wait3A_116 : memref<16x16x128xf32, #tpu.memory_space<hbm>>)
    %dma_start3A_117 = arith.constant 80 : i32
    %dma_start3A_118 = tpu.memref_slice %arg5[%dma_start3A_117] : memref<256xi32, #tpu.memory_space<vmem>> -> memref<16xi32, #tpu.memory_space<vmem>>
    %dma_start3A_119 = arith.constant 0 : i32
    %dma_start3A_120 = arith.constant 0 : i32
    %dma_start3A_121 = arith.constant 0 : i32
    %dma_start3A_122 = tpu.memref_slice %arg2[%dma_start3A_119, %dma_start3A_120, %dma_start3A_121] : memref<1000x16x128xf32, #tpu.memory_space<hbm>> -> memref<1000x16x128xf32, #tpu.memory_space<hbm>>
    tpu.enqueue_indirect_dma source(%dma_start3A_122 : memref<1000x16x128xf32, #tpu.memory_space<hbm>>) target(%arg7 : memref<16x16x128xf32, #tpu.memory_space<vmem>>) offsets(%dma_start3A_118 : memref<16xi32, #tpu.memory_space<vmem>>) semaphore(%arg9 : memref<!tpu.dma_semaphore, #tpu.memory_space<semaphore_mem>>)
    %add3A_123 = arith.constant 64 : i32
    %add3A_124 = arith.addi %mul3A_2, %add3A_123 : i32
    %dma_start3A_125 = arith.constant 0 : i32
    %dma_start3A_126 = arith.constant 0 : i32
    %dma_start3A_127 = tpu.memref_slice %arg4[%add3A_124, %dma_start3A_125, %dma_start3A_126] : memref<8192x16x128xf32, #tpu.memory_space<hbm>> -> memref<16x16x128xf32, #tpu.memory_space<hbm>>
    %dma_start3A_128 = arith.constant 0 : i32
    %dma_start3A_129 = arith.constant 0 : i32
    %dma_start3A_130 = tpu.memref_slice %arg4[%add3A_124, %dma_start3A_128, %dma_start3A_129] : memref<8192x16x128xf32, #tpu.memory_space<hbm>> -> memref<16x16x128xf32, #tpu.memory_space<hbm>>
    tpu.enqueue_dma source(%arg6 : memref<16x16x128xf32, #tpu.memory_space<vmem>>) target(%dma_start3A_130 : memref<16x16x128xf32, #tpu.memory_space<hbm>>) target_semaphore(%arg10 : memref<!tpu.dma_semaphore, #tpu.memory_space<semaphore_mem>>)
    %dma_wait3A_131 = arith.constant 80 : i32
    %dma_wait3A_132 = tpu.memref_slice %arg5[%dma_wait3A_131] : memref<256xi32, #tpu.memory_space<vmem>> -> memref<16xi32, #tpu.memory_space<vmem>>
    %dma_wait3A_133 = arith.constant 0 : i32
    %dma_wait3A_134 = arith.constant 0 : i32
    %dma_wait3A_135 = arith.constant 0 : i32
    %dma_wait3A_136 = tpu.memref_slice %arg2[%dma_wait3A_133, %dma_wait3A_134, %dma_wait3A_135] : memref<1000x16x128xf32, #tpu.memory_space<hbm>> -> memref<1000x16x128xf32, #tpu.memory_space<hbm>>
    tpu.wait_indirect_dma semaphore(%arg9 : memref<!tpu.dma_semaphore, #tpu.memory_space<semaphore_mem>>) src(%dma_wait3A_136 : memref<1000x16x128xf32, #tpu.memory_space<hbm>>) dst(%arg7 : memref<16x16x128xf32, #tpu.memory_space<vmem>>)
    %dma_wait3A_137 = arith.constant 0 : i32
    %dma_wait3A_138 = arith.constant 0 : i32
    %dma_wait3A_139 = tpu.memref_slice %arg4[%add3A_124, %dma_wait3A_137, %dma_wait3A_138] : memref<8192x16x128xf32, #tpu.memory_space<hbm>> -> memref<16x16x128xf32, #tpu.memory_space<hbm>>
    %dma_wait3A_140 = arith.constant 0 : i32
    %dma_wait3A_141 = arith.constant 0 : i32
    %dma_wait3A_142 = tpu.memref_slice %arg4[%add3A_124, %dma_wait3A_140, %dma_wait3A_141] : memref<8192x16x128xf32, #tpu.memory_space<hbm>> -> memref<16x16x128xf32, #tpu.memory_space<hbm>>
    tpu.wait_dma2 semaphore(%arg10 : memref<!tpu.dma_semaphore, #tpu.memory_space<semaphore_mem>>) src(%arg6 : memref<16x16x128xf32, #tpu.memory_space<vmem>>) dst(%dma_wait3A_142 : memref<16x16x128xf32, #tpu.memory_space<hbm>>)
    %dma_start3A_143 = arith.constant 96 : i32
    %dma_start3A_144 = tpu.memref_slice %arg5[%dma_start3A_143] : memref<256xi32, #tpu.memory_space<vmem>> -> memref<16xi32, #tpu.memory_space<vmem>>
    %dma_start3A_145 = arith.constant 0 : i32
    %dma_start3A_146 = arith.constant 0 : i32
    %dma_start3A_147 = arith.constant 0 : i32
    %dma_start3A_148 = tpu.memref_slice %arg2[%dma_start3A_145, %dma_start3A_146, %dma_start3A_147] : memref<1000x16x128xf32, #tpu.memory_space<hbm>> -> memref<1000x16x128xf32, #tpu.memory_space<hbm>>
    tpu.enqueue_indirect_dma source(%dma_start3A_148 : memref<1000x16x128xf32, #tpu.memory_space<hbm>>) target(%arg6 : memref<16x16x128xf32, #tpu.memory_space<vmem>>) offsets(%dma_start3A_144 : memref<16xi32, #tpu.memory_space<vmem>>) semaphore(%arg8 : memref<!tpu.dma_semaphore, #tpu.memory_space<semaphore_mem>>)
    %add3A_149 = arith.constant 80 : i32
    %add3A_150 = arith.addi %mul3A_2, %add3A_149 : i32
    %dma_start3A_151 = arith.constant 0 : i32
    %dma_start3A_152 = arith.constant 0 : i32
    %dma_start3A_153 = tpu.memref_slice %arg4[%add3A_150, %dma_start3A_151, %dma_start3A_152] : memref<8192x16x128xf32, #tpu.memory_space<hbm>> -> memref<16x16x128xf32, #tpu.memory_space<hbm>>
    %dma_start3A_154 = arith.constant 0 : i32
    %dma_start3A_155 = arith.constant 0 : i32
    %dma_start3A_156 = tpu.memref_slice %arg4[%add3A_150, %dma_start3A_154, %dma_start3A_155] : memref<8192x16x128xf32, #tpu.memory_space<hbm>> -> memref<16x16x128xf32, #tpu.memory_space<hbm>>
    tpu.enqueue_dma source(%arg7 : memref<16x16x128xf32, #tpu.memory_space<vmem>>) target(%dma_start3A_156 : memref<16x16x128xf32, #tpu.memory_space<hbm>>) target_semaphore(%arg11 : memref<!tpu.dma_semaphore, #tpu.memory_space<semaphore_mem>>)
    %dma_wait3A_157 = arith.constant 96 : i32
    %dma_wait3A_158 = tpu.memref_slice %arg5[%dma_wait3A_157] : memref<256xi32, #tpu.memory_space<vmem>> -> memref<16xi32, #tpu.memory_space<vmem>>
    %dma_wait3A_159 = arith.constant 0 : i32
    %dma_wait3A_160 = arith.constant 0 : i32
    %dma_wait3A_161 = arith.constant 0 : i32
    %dma_wait3A_162 = tpu.memref_slice %arg2[%dma_wait3A_159, %dma_wait3A_160, %dma_wait3A_161] : memref<1000x16x128xf32, #tpu.memory_space<hbm>> -> memref<1000x16x128xf32, #tpu.memory_space<hbm>>
    tpu.wait_indirect_dma semaphore(%arg8 : memref<!tpu.dma_semaphore, #tpu.memory_space<semaphore_mem>>) src(%dma_wait3A_162 : memref<1000x16x128xf32, #tpu.memory_space<hbm>>) dst(%arg6 : memref<16x16x128xf32, #tpu.memory_space<vmem>>)
    %dma_wait3A_163 = arith.constant 0 : i32
    %dma_wait3A_164 = arith.constant 0 : i32
    %dma_wait3A_165 = tpu.memref_slice %arg4[%add3A_150, %dma_wait3A_163, %dma_wait3A_164] : memref<8192x16x128xf32, #tpu.memory_space<hbm>> -> memref<16x16x128xf32, #tpu.memory_space<hbm>>
    %dma_wait3A_166 = arith.constant 0 : i32
    %dma_wait3A_167 = arith.constant 0 : i32
    %dma_wait3A_168 = tpu.memref_slice %arg4[%add3A_150, %dma_wait3A_166, %dma_wait3A_167] : memref<8192x16x128xf32, #tpu.memory_space<hbm>> -> memref<16x16x128xf32, #tpu.memory_space<hbm>>
    tpu.wait_dma2 semaphore(%arg11 : memref<!tpu.dma_semaphore, #tpu.memory_space<semaphore_mem>>) src(%arg7 : memref<16x16x128xf32, #tpu.memory_space<vmem>>) dst(%dma_wait3A_168 : memref<16x16x128xf32, #tpu.memory_space<hbm>>)
    %dma_start3A_169 = arith.constant 112 : i32
    %dma_start3A_170 = tpu.memref_slice %arg5[%dma_start3A_169] : memref<256xi32, #tpu.memory_space<vmem>> -> memref<16xi32, #tpu.memory_space<vmem>>
    %dma_start3A_171 = arith.constant 0 : i32
    %dma_start3A_172 = arith.constant 0 : i32
    %dma_start3A_173 = arith.constant 0 : i32
    %dma_start3A_174 = tpu.memref_slice %arg2[%dma_start3A_171, %dma_start3A_172, %dma_start3A_173] : memref<1000x16x128xf32, #tpu.memory_space<hbm>> -> memref<1000x16x128xf32, #tpu.memory_space<hbm>>
    tpu.enqueue_indirect_dma source(%dma_start3A_174 : memref<1000x16x128xf32, #tpu.memory_space<hbm>>) target(%arg7 : memref<16x16x128xf32, #tpu.memory_space<vmem>>) offsets(%dma_start3A_170 : memref<16xi32, #tpu.memory_space<vmem>>) semaphore(%arg9 : memref<!tpu.dma_semaphore, #tpu.memory_space<semaphore_mem>>)
    %add3A_175 = arith.constant 96 : i32
    %add3A_176 = arith.addi %mul3A_2, %add3A_175 : i32
    %dma_start3A_177 = arith.constant 0 : i32
    %dma_start3A_178 = arith.constant 0 : i32
    %dma_start3A_179 = tpu.memref_slice %arg4[%add3A_176, %dma_start3A_177, %dma_start3A_178] : memref<8192x16x128xf32, #tpu.memory_space<hbm>> -> memref<16x16x128xf32, #tpu.memory_space<hbm>>
    %dma_start3A_180 = arith.constant 0 : i32
    %dma_start3A_181 = arith.constant 0 : i32
    %dma_start3A_182 = tpu.memref_slice %arg4[%add3A_176, %dma_start3A_180, %dma_start3A_181] : memref<8192x16x128xf32, #tpu.memory_space<hbm>> -> memref<16x16x128xf32, #tpu.memory_space<hbm>>
    tpu.enqueue_dma source(%arg6 : memref<16x16x128xf32, #tpu.memory_space<vmem>>) target(%dma_start3A_182 : memref<16x16x128xf32, #tpu.memory_space<hbm>>) target_semaphore(%arg10 : memref<!tpu.dma_semaphore, #tpu.memory_space<semaphore_mem>>)
    %dma_wait3A_183 = arith.constant 112 : i32
    %dma_wait3A_184 = tpu.memref_slice %arg5[%dma_wait3A_183] : memref<256xi32, #tpu.memory_space<vmem>> -> memref<16xi32, #tpu.memory_space<vmem>>
    %dma_wait3A_185 = arith.constant 0 : i32
    %dma_wait3A_186 = arith.constant 0 : i32
    %dma_wait3A_187 = arith.constant 0 : i32
    %dma_wait3A_188 = tpu.memref_slice %arg2[%dma_wait3A_185, %dma_wait3A_186, %dma_wait3A_187] : memref<1000x16x128xf32, #tpu.memory_space<hbm>> -> memref<1000x16x128xf32, #tpu.memory_space<hbm>>
    tpu.wait_indirect_dma semaphore(%arg9 : memref<!tpu.dma_semaphore, #tpu.memory_space<semaphore_mem>>) src(%dma_wait3A_188 : memref<1000x16x128xf32, #tpu.memory_space<hbm>>) dst(%arg7 : memref<16x16x128xf32, #tpu.memory_space<vmem>>)
    %dma_wait3A_189 = arith.constant 0 : i32
    %dma_wait3A_190 = arith.constant 0 : i32
    %dma_wait3A_191 = tpu.memref_slice %arg4[%add3A_176, %dma_wait3A_189, %dma_wait3A_190] : memref<8192x16x128xf32, #tpu.memory_space<hbm>> -> memref<16x16x128xf32, #tpu.memory_space<hbm>>
    %dma_wait3A_192 = arith.constant 0 : i32
    %dma_wait3A_193 = arith.constant 0 : i32
    %dma_wait3A_194 = tpu.memref_slice %arg4[%add3A_176, %dma_wait3A_192, %dma_wait3A_193] : memref<8192x16x128xf32, #tpu.memory_space<hbm>> -> memref<16x16x128xf32, #tpu.memory_space<hbm>>
    tpu.wait_dma2 semaphore(%arg10 : memref<!tpu.dma_semaphore, #tpu.memory_space<semaphore_mem>>) src(%arg6 : memref<16x16x128xf32, #tpu.memory_space<vmem>>) dst(%dma_wait3A_194 : memref<16x16x128xf32, #tpu.memory_space<hbm>>)
    %dma_start3A_195 = arith.constant 128 : i32
    %dma_start3A_196 = tpu.memref_slice %arg5[%dma_start3A_195] : memref<256xi32, #tpu.memory_space<vmem>> -> memref<16xi32, #tpu.memory_space<vmem>>
    %dma_start3A_197 = arith.constant 0 : i32
    %dma_start3A_198 = arith.constant 0 : i32
    %dma_start3A_199 = arith.constant 0 : i32
    %dma_start3A_200 = tpu.memref_slice %arg2[%dma_start3A_197, %dma_start3A_198, %dma_start3A_199] : memref<1000x16x128xf32, #tpu.memory_space<hbm>> -> memref<1000x16x128xf32, #tpu.memory_space<hbm>>
    tpu.enqueue_indirect_dma source(%dma_start3A_200 : memref<1000x16x128xf32, #tpu.memory_space<hbm>>) target(%arg6 : memref<16x16x128xf32, #tpu.memory_space<vmem>>) offsets(%dma_start3A_196 : memref<16xi32, #tpu.memory_space<vmem>>) semaphore(%arg8 : memref<!tpu.dma_semaphore, #tpu.memory_space<semaphore_mem>>)
    %add3A_201 = arith.constant 112 : i32
    %add3A_202 = arith.addi %mul3A_2, %add3A_201 : i32
    %dma_start3A_203 = arith.constant 0 : i32
    %dma_start3A_204 = arith.constant 0 : i32
    %dma_start3A_205 = tpu.memref_slice %arg4[%add3A_202, %dma_start3A_203, %dma_start3A_204] : memref<8192x16x128xf32, #tpu.memory_space<hbm>> -> memref<16x16x128xf32, #tpu.memory_space<hbm>>
    %dma_start3A_206 = arith.constant 0 : i32
    %dma_start3A_207 = arith.constant 0 : i32
    %dma_start3A_208 = tpu.memref_slice %arg4[%add3A_202, %dma_start3A_206, %dma_start3A_207] : memref<8192x16x128xf32, #tpu.memory_space<hbm>> -> memref<16x16x128xf32, #tpu.memory_space<hbm>>
    tpu.enqueue_dma source(%arg7 : memref<16x16x128xf32, #tpu.memory_space<vmem>>) target(%dma_start3A_208 : memref<16x16x128xf32, #tpu.memory_space<hbm>>) target_semaphore(%arg11 : memref<!tpu.dma_semaphore, #tpu.memory_space<semaphore_mem>>)
    %dma_wait3A_209 = arith.constant 128 : i32
    %dma_wait3A_210 = tpu.memref_slice %arg5[%dma_wait3A_209] : memref<256xi32, #tpu.memory_space<vmem>> -> memref<16xi32, #tpu.memory_space<vmem>>
    %dma_wait3A_211 = arith.constant 0 : i32
    %dma_wait3A_212 = arith.constant 0 : i32
    %dma_wait3A_213 = arith.constant 0 : i32
    %dma_wait3A_214 = tpu.memref_slice %arg2[%dma_wait3A_211, %dma_wait3A_212, %dma_wait3A_213] : memref<1000x16x128xf32, #tpu.memory_space<hbm>> -> memref<1000x16x128xf32, #tpu.memory_space<hbm>>
    tpu.wait_indirect_dma semaphore(%arg8 : memref<!tpu.dma_semaphore, #tpu.memory_space<semaphore_mem>>) src(%dma_wait3A_214 : memref<1000x16x128xf32, #tpu.memory_space<hbm>>) dst(%arg6 : memref<16x16x128xf32, #tpu.memory_space<vmem>>)
    %dma_wait3A_215 = arith.constant 0 : i32
    %dma_wait3A_216 = arith.constant 0 : i32
    %dma_wait3A_217 = tpu.memref_slice %arg4[%add3A_202, %dma_wait3A_215, %dma_wait3A_216] : memref<8192x16x128xf32, #tpu.memory_space<hbm>> -> memref<16x16x128xf32, #tpu.memory_space<hbm>>
    %dma_wait3A_218 = arith.constant 0 : i32
    %dma_wait3A_219 = arith.constant 0 : i32
    %dma_wait3A_220 = tpu.memref_slice %arg4[%add3A_202, %dma_wait3A_218, %dma_wait3A_219] : memref<8192x16x128xf32, #tpu.memory_space<hbm>> -> memref<16x16x128xf32, #tpu.memory_space<hbm>>
    tpu.wait_dma2 semaphore(%arg11 : memref<!tpu.dma_semaphore, #tpu.memory_space<semaphore_mem>>) src(%arg7 : memref<16x16x128xf32, #tpu.memory_space<vmem>>) dst(%dma_wait3A_220 : memref<16x16x128xf32, #tpu.memory_space<hbm>>)
    %dma_start3A_221 = arith.constant 144 : i32
    %dma_start3A_222 = tpu.memref_slice %arg5[%dma_start3A_221] : memref<256xi32, #tpu.memory_space<vmem>> -> memref<16xi32, #tpu.memory_space<vmem>>
    %dma_start3A_223 = arith.constant 0 : i32
    %dma_start3A_224 = arith.constant 0 : i32
    %dma_start3A_225 = arith.constant 0 : i32
    %dma_start3A_226 = tpu.memref_slice %arg2[%dma_start3A_223, %dma_start3A_224, %dma_start3A_225] : memref<1000x16x128xf32, #tpu.memory_space<hbm>> -> memref<1000x16x128xf32, #tpu.memory_space<hbm>>
    tpu.enqueue_indirect_dma source(%dma_start3A_226 : memref<1000x16x128xf32, #tpu.memory_space<hbm>>) target(%arg7 : memref<16x16x128xf32, #tpu.memory_space<vmem>>) offsets(%dma_start3A_222 : memref<16xi32, #tpu.memory_space<vmem>>) semaphore(%arg9 : memref<!tpu.dma_semaphore, #tpu.memory_space<semaphore_mem>>)
    %add3A_227 = arith.constant 128 : i32
    %add3A_228 = arith.addi %mul3A_2, %add3A_227 : i32
    %dma_start3A_229 = arith.constant 0 : i32
    %dma_start3A_230 = arith.constant 0 : i32
    %dma_start3A_231 = tpu.memref_slice %arg4[%add3A_228, %dma_start3A_229, %dma_start3A_230] : memref<8192x16x128xf32, #tpu.memory_space<hbm>> -> memref<16x16x128xf32, #tpu.memory_space<hbm>>
    %dma_start3A_232 = arith.constant 0 : i32
    %dma_start3A_233 = arith.constant 0 : i32
    %dma_start3A_234 = tpu.memref_slice %arg4[%add3A_228, %dma_start3A_232, %dma_start3A_233] : memref<8192x16x128xf32, #tpu.memory_space<hbm>> -> memref<16x16x128xf32, #tpu.memory_space<hbm>>
    tpu.enqueue_dma source(%arg6 : memref<16x16x128xf32, #tpu.memory_space<vmem>>) target(%dma_start3A_234 : memref<16x16x128xf32, #tpu.memory_space<hbm>>) target_semaphore(%arg10 : memref<!tpu.dma_semaphore, #tpu.memory_space<semaphore_mem>>)
    %dma_wait3A_235 = arith.constant 144 : i32
    %dma_wait3A_236 = tpu.memref_slice %arg5[%dma_wait3A_235] : memref<256xi32, #tpu.memory_space<vmem>> -> memref<16xi32, #tpu.memory_space<vmem>>
    %dma_wait3A_237 = arith.constant 0 : i32
    %dma_wait3A_238 = arith.constant 0 : i32
    %dma_wait3A_239 = arith.constant 0 : i32
    %dma_wait3A_240 = tpu.memref_slice %arg2[%dma_wait3A_237, %dma_wait3A_238, %dma_wait3A_239] : memref<1000x16x128xf32, #tpu.memory_space<hbm>> -> memref<1000x16x128xf32, #tpu.memory_space<hbm>>
    tpu.wait_indirect_dma semaphore(%arg9 : memref<!tpu.dma_semaphore, #tpu.memory_space<semaphore_mem>>) src(%dma_wait3A_240 : memref<1000x16x128xf32, #tpu.memory_space<hbm>>) dst(%arg7 : memref<16x16x128xf32, #tpu.memory_space<vmem>>)
    %dma_wait3A_241 = arith.constant 0 : i32
    %dma_wait3A_242 = arith.constant 0 : i32
    %dma_wait3A_243 = tpu.memref_slice %arg4[%add3A_228, %dma_wait3A_241, %dma_wait3A_242] : memref<8192x16x128xf32, #tpu.memory_space<hbm>> -> memref<16x16x128xf32, #tpu.memory_space<hbm>>
    %dma_wait3A_244 = arith.constant 0 : i32
    %dma_wait3A_245 = arith.constant 0 : i32
    %dma_wait3A_246 = tpu.memref_slice %arg4[%add3A_228, %dma_wait3A_244, %dma_wait3A_245] : memref<8192x16x128xf32, #tpu.memory_space<hbm>> -> memref<16x16x128xf32, #tpu.memory_space<hbm>>
    tpu.wait_dma2 semaphore(%arg10 : memref<!tpu.dma_semaphore, #tpu.memory_space<semaphore_mem>>) src(%arg6 : memref<16x16x128xf32, #tpu.memory_space<vmem>>) dst(%dma_wait3A_246 : memref<16x16x128xf32, #tpu.memory_space<hbm>>)
    %dma_start3A_247 = arith.constant 160 : i32
    %dma_start3A_248 = tpu.memref_slice %arg5[%dma_start3A_247] : memref<256xi32, #tpu.memory_space<vmem>> -> memref<16xi32, #tpu.memory_space<vmem>>
    %dma_start3A_249 = arith.constant 0 : i32
    %dma_start3A_250 = arith.constant 0 : i32
    %dma_start3A_251 = arith.constant 0 : i32
    %dma_start3A_252 = tpu.memref_slice %arg2[%dma_start3A_249, %dma_start3A_250, %dma_start3A_251] : memref<1000x16x128xf32, #tpu.memory_space<hbm>> -> memref<1000x16x128xf32, #tpu.memory_space<hbm>>
    tpu.enqueue_indirect_dma source(%dma_start3A_252 : memref<1000x16x128xf32, #tpu.memory_space<hbm>>) target(%arg6 : memref<16x16x128xf32, #tpu.memory_space<vmem>>) offsets(%dma_start3A_248 : memref<16xi32, #tpu.memory_space<vmem>>) semaphore(%arg8 : memref<!tpu.dma_semaphore, #tpu.memory_space<semaphore_mem>>)
    %add3A_253 = arith.constant 144 : i32
    %add3A_254 = arith.addi %mul3A_2, %add3A_253 : i32
    %dma_start3A_255 = arith.constant 0 : i32
    %dma_start3A_256 = arith.constant 0 : i32
    %dma_start3A_257 = tpu.memref_slice %arg4[%add3A_254, %dma_start3A_255, %dma_start3A_256] : memref<8192x16x128xf32, #tpu.memory_space<hbm>> -> memref<16x16x128xf32, #tpu.memory_space<hbm>>
    %dma_start3A_258 = arith.constant 0 : i32
    %dma_start3A_259 = arith.constant 0 : i32
    %dma_start3A_260 = tpu.memref_slice %arg4[%add3A_254, %dma_start3A_258, %dma_start3A_259] : memref<8192x16x128xf32, #tpu.memory_space<hbm>> -> memref<16x16x128xf32, #tpu.memory_space<hbm>>
    tpu.enqueue_dma source(%arg7 : memref<16x16x128xf32, #tpu.memory_space<vmem>>) target(%dma_start3A_260 : memref<16x16x128xf32, #tpu.memory_space<hbm>>) target_semaphore(%arg11 : memref<!tpu.dma_semaphore, #tpu.memory_space<semaphore_mem>>)
    %dma_wait3A_261 = arith.constant 160 : i32
    %dma_wait3A_262 = tpu.memref_slice %arg5[%dma_wait3A_261] : memref<256xi32, #tpu.memory_space<vmem>> -> memref<16xi32, #tpu.memory_space<vmem>>
    %dma_wait3A_263 = arith.constant 0 : i32
    %dma_wait3A_264 = arith.constant 0 : i32
    %dma_wait3A_265 = arith.constant 0 : i32
    %dma_wait3A_266 = tpu.memref_slice %arg2[%dma_wait3A_263, %dma_wait3A_264, %dma_wait3A_265] : memref<1000x16x128xf32, #tpu.memory_space<hbm>> -> memref<1000x16x128xf32, #tpu.memory_space<hbm>>
    tpu.wait_indirect_dma semaphore(%arg8 : memref<!tpu.dma_semaphore, #tpu.memory_space<semaphore_mem>>) src(%dma_wait3A_266 : memref<1000x16x128xf32, #tpu.memory_space<hbm>>) dst(%arg6 : memref<16x16x128xf32, #tpu.memory_space<vmem>>)
    %dma_wait3A_267 = arith.constant 0 : i32
    %dma_wait3A_268 = arith.constant 0 : i32
    %dma_wait3A_269 = tpu.memref_slice %arg4[%add3A_254, %dma_wait3A_267, %dma_wait3A_268] : memref<8192x16x128xf32, #tpu.memory_space<hbm>> -> memref<16x16x128xf32, #tpu.memory_space<hbm>>
    %dma_wait3A_270 = arith.constant 0 : i32
    %dma_wait3A_271 = arith.constant 0 : i32
    %dma_wait3A_272 = tpu.memref_slice %arg4[%add3A_254, %dma_wait3A_270, %dma_wait3A_271] : memref<8192x16x128xf32, #tpu.memory_space<hbm>> -> memref<16x16x128xf32, #tpu.memory_space<hbm>>
    tpu.wait_dma2 semaphore(%arg11 : memref<!tpu.dma_semaphore, #tpu.memory_space<semaphore_mem>>) src(%arg7 : memref<16x16x128xf32, #tpu.memory_space<vmem>>) dst(%dma_wait3A_272 : memref<16x16x128xf32, #tpu.memory_space<hbm>>)
    %dma_start3A_273 = arith.constant 176 : i32
    %dma_start3A_274 = tpu.memref_slice %arg5[%dma_start3A_273] : memref<256xi32, #tpu.memory_space<vmem>> -> memref<16xi32, #tpu.memory_space<vmem>>
    %dma_start3A_275 = arith.constant 0 : i32
    %dma_start3A_276 = arith.constant 0 : i32
    %dma_start3A_277 = arith.constant 0 : i32
    %dma_start3A_278 = tpu.memref_slice %arg2[%dma_start3A_275, %dma_start3A_276, %dma_start3A_277] : memref<1000x16x128xf32, #tpu.memory_space<hbm>> -> memref<1000x16x128xf32, #tpu.memory_space<hbm>>
    tpu.enqueue_indirect_dma source(%dma_start3A_278 : memref<1000x16x128xf32, #tpu.memory_space<hbm>>) target(%arg7 : memref<16x16x128xf32, #tpu.memory_space<vmem>>) offsets(%dma_start3A_274 : memref<16xi32, #tpu.memory_space<vmem>>) semaphore(%arg9 : memref<!tpu.dma_semaphore, #tpu.memory_space<semaphore_mem>>)
    %add3A_279 = arith.constant 160 : i32
    %add3A_280 = arith.addi %mul3A_2, %add3A_279 : i32
    %dma_start3A_281 = arith.constant 0 : i32
    %dma_start3A_282 = arith.constant 0 : i32
    %dma_start3A_283 = tpu.memref_slice %arg4[%add3A_280, %dma_start3A_281, %dma_start3A_282] : memref<8192x16x128xf32, #tpu.memory_space<hbm>> -> memref<16x16x128xf32, #tpu.memory_space<hbm>>
    %dma_start3A_284 = arith.constant 0 : i32
    %dma_start3A_285 = arith.constant 0 : i32
    %dma_start3A_286 = tpu.memref_slice %arg4[%add3A_280, %dma_start3A_284, %dma_start3A_285] : memref<8192x16x128xf32, #tpu.memory_space<hbm>> -> memref<16x16x128xf32, #tpu.memory_space<hbm>>
    tpu.enqueue_dma source(%arg6 : memref<16x16x128xf32, #tpu.memory_space<vmem>>) target(%dma_start3A_286 : memref<16x16x128xf32, #tpu.memory_space<hbm>>) target_semaphore(%arg10 : memref<!tpu.dma_semaphore, #tpu.memory_space<semaphore_mem>>)
    %dma_wait3A_287 = arith.constant 176 : i32
    %dma_wait3A_288 = tpu.memref_slice %arg5[%dma_wait3A_287] : memref<256xi32, #tpu.memory_space<vmem>> -> memref<16xi32, #tpu.memory_space<vmem>>
    %dma_wait3A_289 = arith.constant 0 : i32
    %dma_wait3A_290 = arith.constant 0 : i32
    %dma_wait3A_291 = arith.constant 0 : i32
    %dma_wait3A_292 = tpu.memref_slice %arg2[%dma_wait3A_289, %dma_wait3A_290, %dma_wait3A_291] : memref<1000x16x128xf32, #tpu.memory_space<hbm>> -> memref<1000x16x128xf32, #tpu.memory_space<hbm>>
    tpu.wait_indirect_dma semaphore(%arg9 : memref<!tpu.dma_semaphore, #tpu.memory_space<semaphore_mem>>) src(%dma_wait3A_292 : memref<1000x16x128xf32, #tpu.memory_space<hbm>>) dst(%arg7 : memref<16x16x128xf32, #tpu.memory_space<vmem>>)
    %dma_wait3A_293 = arith.constant 0 : i32
    %dma_wait3A_294 = arith.constant 0 : i32
    %dma_wait3A_295 = tpu.memref_slice %arg4[%add3A_280, %dma_wait3A_293, %dma_wait3A_294] : memref<8192x16x128xf32, #tpu.memory_space<hbm>> -> memref<16x16x128xf32, #tpu.memory_space<hbm>>
    %dma_wait3A_296 = arith.constant 0 : i32
    %dma_wait3A_297 = arith.constant 0 : i32
    %dma_wait3A_298 = tpu.memref_slice %arg4[%add3A_280, %dma_wait3A_296, %dma_wait3A_297] : memref<8192x16x128xf32, #tpu.memory_space<hbm>> -> memref<16x16x128xf32, #tpu.memory_space<hbm>>
    tpu.wait_dma2 semaphore(%arg10 : memref<!tpu.dma_semaphore, #tpu.memory_space<semaphore_mem>>) src(%arg6 : memref<16x16x128xf32, #tpu.memory_space<vmem>>) dst(%dma_wait3A_298 : memref<16x16x128xf32, #tpu.memory_space<hbm>>)
    %dma_start3A_299 = arith.constant 192 : i32
    %dma_start3A_300 = tpu.memref_slice %arg5[%dma_start3A_299] : memref<256xi32, #tpu.memory_space<vmem>> -> memref<16xi32, #tpu.memory_space<vmem>>
    %dma_start3A_301 = arith.constant 0 : i32
    %dma_start3A_302 = arith.constant 0 : i32
    %dma_start3A_303 = arith.constant 0 : i32
    %dma_start3A_304 = tpu.memref_slice %arg2[%dma_start3A_301, %dma_start3A_302, %dma_start3A_303] : memref<1000x16x128xf32, #tpu.memory_space<hbm>> -> memref<1000x16x128xf32, #tpu.memory_space<hbm>>
    tpu.enqueue_indirect_dma source(%dma_start3A_304 : memref<1000x16x128xf32, #tpu.memory_space<hbm>>) target(%arg6 : memref<16x16x128xf32, #tpu.memory_space<vmem>>) offsets(%dma_start3A_300 : memref<16xi32, #tpu.memory_space<vmem>>) semaphore(%arg8 : memref<!tpu.dma_semaphore, #tpu.memory_space<semaphore_mem>>)
    %add3A_305 = arith.constant 176 : i32
    %add3A_306 = arith.addi %mul3A_2, %add3A_305 : i32
    %dma_start3A_307 = arith.constant 0 : i32
    %dma_start3A_308 = arith.constant 0 : i32
    %dma_start3A_309 = tpu.memref_slice %arg4[%add3A_306, %dma_start3A_307, %dma_start3A_308] : memref<8192x16x128xf32, #tpu.memory_space<hbm>> -> memref<16x16x128xf32, #tpu.memory_space<hbm>>
    %dma_start3A_310 = arith.constant 0 : i32
    %dma_start3A_311 = arith.constant 0 : i32
    %dma_start3A_312 = tpu.memref_slice %arg4[%add3A_306, %dma_start3A_310, %dma_start3A_311] : memref<8192x16x128xf32, #tpu.memory_space<hbm>> -> memref<16x16x128xf32, #tpu.memory_space<hbm>>
    tpu.enqueue_dma source(%arg7 : memref<16x16x128xf32, #tpu.memory_space<vmem>>) target(%dma_start3A_312 : memref<16x16x128xf32, #tpu.memory_space<hbm>>) target_semaphore(%arg11 : memref<!tpu.dma_semaphore, #tpu.memory_space<semaphore_mem>>)
    %dma_wait3A_313 = arith.constant 192 : i32
    %dma_wait3A_314 = tpu.memref_slice %arg5[%dma_wait3A_313] : memref<256xi32, #tpu.memory_space<vmem>> -> memref<16xi32, #tpu.memory_space<vmem>>
    %dma_wait3A_315 = arith.constant 0 : i32
    %dma_wait3A_316 = arith.constant 0 : i32
    %dma_wait3A_317 = arith.constant 0 : i32
    %dma_wait3A_318 = tpu.memref_slice %arg2[%dma_wait3A_315, %dma_wait3A_316, %dma_wait3A_317] : memref<1000x16x128xf32, #tpu.memory_space<hbm>> -> memref<1000x16x128xf32, #tpu.memory_space<hbm>>
    tpu.wait_indirect_dma semaphore(%arg8 : memref<!tpu.dma_semaphore, #tpu.memory_space<semaphore_mem>>) src(%dma_wait3A_318 : memref<1000x16x128xf32, #tpu.memory_space<hbm>>) dst(%arg6 : memref<16x16x128xf32, #tpu.memory_space<vmem>>)
    %dma_wait3A_319 = arith.constant 0 : i32
    %dma_wait3A_320 = arith.constant 0 : i32
    %dma_wait3A_321 = tpu.memref_slice %arg4[%add3A_306, %dma_wait3A_319, %dma_wait3A_320] : memref<8192x16x128xf32, #tpu.memory_space<hbm>> -> memref<16x16x128xf32, #tpu.memory_space<hbm>>
    %dma_wait3A_322 = arith.constant 0 : i32
    %dma_wait3A_323 = arith.constant 0 : i32
    %dma_wait3A_324 = tpu.memref_slice %arg4[%add3A_306, %dma_wait3A_322, %dma_wait3A_323] : memref<8192x16x128xf32, #tpu.memory_space<hbm>> -> memref<16x16x128xf32, #tpu.memory_space<hbm>>
    tpu.wait_dma2 semaphore(%arg11 : memref<!tpu.dma_semaphore, #tpu.memory_space<semaphore_mem>>) src(%arg7 : memref<16x16x128xf32, #tpu.memory_space<vmem>>) dst(%dma_wait3A_324 : memref<16x16x128xf32, #tpu.memory_space<hbm>>)
    %dma_start3A_325 = arith.constant 208 : i32
    %dma_start3A_326 = tpu.memref_slice %arg5[%dma_start3A_325] : memref<256xi32, #tpu.memory_space<vmem>> -> memref<16xi32, #tpu.memory_space<vmem>>
    %dma_start3A_327 = arith.constant 0 : i32
    %dma_start3A_328 = arith.constant 0 : i32
    %dma_start3A_329 = arith.constant 0 : i32
    %dma_start3A_330 = tpu.memref_slice %arg2[%dma_start3A_327, %dma_start3A_328, %dma_start3A_329] : memref<1000x16x128xf32, #tpu.memory_space<hbm>> -> memref<1000x16x128xf32, #tpu.memory_space<hbm>>
    tpu.enqueue_indirect_dma source(%dma_start3A_330 : memref<1000x16x128xf32, #tpu.memory_space<hbm>>) target(%arg7 : memref<16x16x128xf32, #tpu.memory_space<vmem>>) offsets(%dma_start3A_326 : memref<16xi32, #tpu.memory_space<vmem>>) semaphore(%arg9 : memref<!tpu.dma_semaphore, #tpu.memory_space<semaphore_mem>>)
    %add3A_331 = arith.constant 192 : i32
    %add3A_332 = arith.addi %mul3A_2, %add3A_331 : i32
    %dma_start3A_333 = arith.constant 0 : i32
    %dma_start3A_334 = arith.constant 0 : i32
    %dma_start3A_335 = tpu.memref_slice %arg4[%add3A_332, %dma_start3A_333, %dma_start3A_334] : memref<8192x16x128xf32, #tpu.memory_space<hbm>> -> memref<16x16x128xf32, #tpu.memory_space<hbm>>
    %dma_start3A_336 = arith.constant 0 : i32
    %dma_start3A_337 = arith.constant 0 : i32
    %dma_start3A_338 = tpu.memref_slice %arg4[%add3A_332, %dma_start3A_336, %dma_start3A_337] : memref<8192x16x128xf32, #tpu.memory_space<hbm>> -> memref<16x16x128xf32, #tpu.memory_space<hbm>>
    tpu.enqueue_dma source(%arg6 : memref<16x16x128xf32, #tpu.memory_space<vmem>>) target(%dma_start3A_338 : memref<16x16x128xf32, #tpu.memory_space<hbm>>) target_semaphore(%arg10 : memref<!tpu.dma_semaphore, #tpu.memory_space<semaphore_mem>>)
    %dma_wait3A_339 = arith.constant 208 : i32
    %dma_wait3A_340 = tpu.memref_slice %arg5[%dma_wait3A_339] : memref<256xi32, #tpu.memory_space<vmem>> -> memref<16xi32, #tpu.memory_space<vmem>>
    %dma_wait3A_341 = arith.constant 0 : i32
    %dma_wait3A_342 = arith.constant 0 : i32
    %dma_wait3A_343 = arith.constant 0 : i32
    %dma_wait3A_344 = tpu.memref_slice %arg2[%dma_wait3A_341, %dma_wait3A_342, %dma_wait3A_343] : memref<1000x16x128xf32, #tpu.memory_space<hbm>> -> memref<1000x16x128xf32, #tpu.memory_space<hbm>>
    tpu.wait_indirect_dma semaphore(%arg9 : memref<!tpu.dma_semaphore, #tpu.memory_space<semaphore_mem>>) src(%dma_wait3A_344 : memref<1000x16x128xf32, #tpu.memory_space<hbm>>) dst(%arg7 : memref<16x16x128xf32, #tpu.memory_space<vmem>>)
    %dma_wait3A_345 = arith.constant 0 : i32
    %dma_wait3A_346 = arith.constant 0 : i32
    %dma_wait3A_347 = tpu.memref_slice %arg4[%add3A_332, %dma_wait3A_345, %dma_wait3A_346] : memref<8192x16x128xf32, #tpu.memory_space<hbm>> -> memref<16x16x128xf32, #tpu.memory_space<hbm>>
    %dma_wait3A_348 = arith.constant 0 : i32
    %dma_wait3A_349 = arith.constant 0 : i32
    %dma_wait3A_350 = tpu.memref_slice %arg4[%add3A_332, %dma_wait3A_348, %dma_wait3A_349] : memref<8192x16x128xf32, #tpu.memory_space<hbm>> -> memref<16x16x128xf32, #tpu.memory_space<hbm>>
    tpu.wait_dma2 semaphore(%arg10 : memref<!tpu.dma_semaphore, #tpu.memory_space<semaphore_mem>>) src(%arg6 : memref<16x16x128xf32, #tpu.memory_space<vmem>>) dst(%dma_wait3A_350 : memref<16x16x128xf32, #tpu.memory_space<hbm>>)
    %dma_start3A_351 = arith.constant 224 : i32
    %dma_start3A_352 = tpu.memref_slice %arg5[%dma_start3A_351] : memref<256xi32, #tpu.memory_space<vmem>> -> memref<16xi32, #tpu.memory_space<vmem>>
    %dma_start3A_353 = arith.constant 0 : i32
    %dma_start3A_354 = arith.constant 0 : i32
    %dma_start3A_355 = arith.constant 0 : i32
    %dma_start3A_356 = tpu.memref_slice %arg2[%dma_start3A_353, %dma_start3A_354, %dma_start3A_355] : memref<1000x16x128xf32, #tpu.memory_space<hbm>> -> memref<1000x16x128xf32, #tpu.memory_space<hbm>>
    tpu.enqueue_indirect_dma source(%dma_start3A_356 : memref<1000x16x128xf32, #tpu.memory_space<hbm>>) target(%arg6 : memref<16x16x128xf32, #tpu.memory_space<vmem>>) offsets(%dma_start3A_352 : memref<16xi32, #tpu.memory_space<vmem>>) semaphore(%arg8 : memref<!tpu.dma_semaphore, #tpu.memory_space<semaphore_mem>>)
    %add3A_357 = arith.constant 208 : i32
    %add3A_358 = arith.addi %mul3A_2, %add3A_357 : i32
    %dma_start3A_359 = arith.constant 0 : i32
    %dma_start3A_360 = arith.constant 0 : i32
    %dma_start3A_361 = tpu.memref_slice %arg4[%add3A_358, %dma_start3A_359, %dma_start3A_360] : memref<8192x16x128xf32, #tpu.memory_space<hbm>> -> memref<16x16x128xf32, #tpu.memory_space<hbm>>
    %dma_start3A_362 = arith.constant 0 : i32
    %dma_start3A_363 = arith.constant 0 : i32
    %dma_start3A_364 = tpu.memref_slice %arg4[%add3A_358, %dma_start3A_362, %dma_start3A_363] : memref<8192x16x128xf32, #tpu.memory_space<hbm>> -> memref<16x16x128xf32, #tpu.memory_space<hbm>>
    tpu.enqueue_dma source(%arg7 : memref<16x16x128xf32, #tpu.memory_space<vmem>>) target(%dma_start3A_364 : memref<16x16x128xf32, #tpu.memory_space<hbm>>) target_semaphore(%arg11 : memref<!tpu.dma_semaphore, #tpu.memory_space<semaphore_mem>>)
    %dma_wait3A_365 = arith.constant 224 : i32
    %dma_wait3A_366 = tpu.memref_slice %arg5[%dma_wait3A_365] : memref<256xi32, #tpu.memory_space<vmem>> -> memref<16xi32, #tpu.memory_space<vmem>>
    %dma_wait3A_367 = arith.constant 0 : i32
    %dma_wait3A_368 = arith.constant 0 : i32
    %dma_wait3A_369 = arith.constant 0 : i32
    %dma_wait3A_370 = tpu.memref_slice %arg2[%dma_wait3A_367, %dma_wait3A_368, %dma_wait3A_369] : memref<1000x16x128xf32, #tpu.memory_space<hbm>> -> memref<1000x16x128xf32, #tpu.memory_space<hbm>>
    tpu.wait_indirect_dma semaphore(%arg8 : memref<!tpu.dma_semaphore, #tpu.memory_space<semaphore_mem>>) src(%dma_wait3A_370 : memref<1000x16x128xf32, #tpu.memory_space<hbm>>) dst(%arg6 : memref<16x16x128xf32, #tpu.memory_space<vmem>>)
    %dma_wait3A_371 = arith.constant 0 : i32
    %dma_wait3A_372 = arith.constant 0 : i32
    %dma_wait3A_373 = tpu.memref_slice %arg4[%add3A_358, %dma_wait3A_371, %dma_wait3A_372] : memref<8192x16x128xf32, #tpu.memory_space<hbm>> -> memref<16x16x128xf32, #tpu.memory_space<hbm>>
    %dma_wait3A_374 = arith.constant 0 : i32
    %dma_wait3A_375 = arith.constant 0 : i32
    %dma_wait3A_376 = tpu.memref_slice %arg4[%add3A_358, %dma_wait3A_374, %dma_wait3A_375] : memref<8192x16x128xf32, #tpu.memory_space<hbm>> -> memref<16x16x128xf32, #tpu.memory_space<hbm>>
    tpu.wait_dma2 semaphore(%arg11 : memref<!tpu.dma_semaphore, #tpu.memory_space<semaphore_mem>>) src(%arg7 : memref<16x16x128xf32, #tpu.memory_space<vmem>>) dst(%dma_wait3A_376 : memref<16x16x128xf32, #tpu.memory_space<hbm>>)
    %dma_start3A_377 = arith.constant 240 : i32
    %dma_start3A_378 = tpu.memref_slice %arg5[%dma_start3A_377] : memref<256xi32, #tpu.memory_space<vmem>> -> memref<16xi32, #tpu.memory_space<vmem>>
    %dma_start3A_379 = arith.constant 0 : i32
    %dma_start3A_380 = arith.constant 0 : i32
    %dma_start3A_381 = arith.constant 0 : i32
    %dma_start3A_382 = tpu.memref_slice %arg2[%dma_start3A_379, %dma_start3A_380, %dma_start3A_381] : memref<1000x16x128xf32, #tpu.memory_space<hbm>> -> memref<1000x16x128xf32, #tpu.memory_space<hbm>>
    tpu.enqueue_indirect_dma source(%dma_start3A_382 : memref<1000x16x128xf32, #tpu.memory_space<hbm>>) target(%arg7 : memref<16x16x128xf32, #tpu.memory_space<vmem>>) offsets(%dma_start3A_378 : memref<16xi32, #tpu.memory_space<vmem>>) semaphore(%arg9 : memref<!tpu.dma_semaphore, #tpu.memory_space<semaphore_mem>>)
    %add3A_383 = arith.constant 224 : i32
    %add3A_384 = arith.addi %mul3A_2, %add3A_383 : i32
    %dma_start3A_385 = arith.constant 0 : i32
    %dma_start3A_386 = arith.constant 0 : i32
    %dma_start3A_387 = tpu.memref_slice %arg4[%add3A_384, %dma_start3A_385, %dma_start3A_386] : memref<8192x16x128xf32, #tpu.memory_space<hbm>> -> memref<16x16x128xf32, #tpu.memory_space<hbm>>
    %dma_start3A_388 = arith.constant 0 : i32
    %dma_start3A_389 = arith.constant 0 : i32
    %dma_start3A_390 = tpu.memref_slice %arg4[%add3A_384, %dma_start3A_388, %dma_start3A_389] : memref<8192x16x128xf32, #tpu.memory_space<hbm>> -> memref<16x16x128xf32, #tpu.memory_space<hbm>>
    tpu.enqueue_dma source(%arg6 : memref<16x16x128xf32, #tpu.memory_space<vmem>>) target(%dma_start3A_390 : memref<16x16x128xf32, #tpu.memory_space<hbm>>) target_semaphore(%arg10 : memref<!tpu.dma_semaphore, #tpu.memory_space<semaphore_mem>>)
    %dma_wait3A_391 = arith.constant 240 : i32
    %dma_wait3A_392 = tpu.memref_slice %arg5[%dma_wait3A_391] : memref<256xi32, #tpu.memory_space<vmem>> -> memref<16xi32, #tpu.memory_space<vmem>>
    %dma_wait3A_393 = arith.constant 0 : i32
    %dma_wait3A_394 = arith.constant 0 : i32
    %dma_wait3A_395 = arith.constant 0 : i32
    %dma_wait3A_396 = tpu.memref_slice %arg2[%dma_wait3A_393, %dma_wait3A_394, %dma_wait3A_395] : memref<1000x16x128xf32, #tpu.memory_space<hbm>> -> memref<1000x16x128xf32, #tpu.memory_space<hbm>>
    tpu.wait_indirect_dma semaphore(%arg9 : memref<!tpu.dma_semaphore, #tpu.memory_space<semaphore_mem>>) src(%dma_wait3A_396 : memref<1000x16x128xf32, #tpu.memory_space<hbm>>) dst(%arg7 : memref<16x16x128xf32, #tpu.memory_space<vmem>>)
    %add3A_397 = arith.constant 240 : i32
    %add3A_398 = arith.addi %mul3A_2, %add3A_397 : i32
    %dma_start3A_399 = arith.constant 0 : i32
    %dma_start3A_400 = arith.constant 0 : i32
    %dma_start3A_401 = tpu.memref_slice %arg4[%add3A_398, %dma_start3A_399, %dma_start3A_400] : memref<8192x16x128xf32, #tpu.memory_space<hbm>> -> memref<16x16x128xf32, #tpu.memory_space<hbm>>
    %dma_start3A_402 = arith.constant 0 : i32
    %dma_start3A_403 = arith.constant 0 : i32
    %dma_start3A_404 = tpu.memref_slice %arg4[%add3A_398, %dma_start3A_402, %dma_start3A_403] : memref<8192x16x128xf32, #tpu.memory_space<hbm>> -> memref<16x16x128xf32, #tpu.memory_space<hbm>>
    tpu.enqueue_dma source(%arg7 : memref<16x16x128xf32, #tpu.memory_space<vmem>>) target(%dma_start3A_404 : memref<16x16x128xf32, #tpu.memory_space<hbm>>) target_semaphore(%arg11 : memref<!tpu.dma_semaphore, #tpu.memory_space<semaphore_mem>>)
    %dma_wait3A_405 = arith.constant 0 : i32
    %dma_wait3A_406 = arith.constant 0 : i32
    %dma_wait3A_407 = tpu.memref_slice %arg4[%add3A_384, %dma_wait3A_405, %dma_wait3A_406] : memref<8192x16x128xf32, #tpu.memory_space<hbm>> -> memref<16x16x128xf32, #tpu.memory_space<hbm>>
    %dma_wait3A_408 = arith.constant 0 : i32
    %dma_wait3A_409 = arith.constant 0 : i32
    %dma_wait3A_410 = tpu.memref_slice %arg4[%add3A_384, %dma_wait3A_408, %dma_wait3A_409] : memref<8192x16x128xf32, #tpu.memory_space<hbm>> -> memref<16x16x128xf32, #tpu.memory_space<hbm>>
    tpu.wait_dma2 semaphore(%arg10 : memref<!tpu.dma_semaphore, #tpu.memory_space<semaphore_mem>>) src(%arg6 : memref<16x16x128xf32, #tpu.memory_space<vmem>>) dst(%dma_wait3A_410 : memref<16x16x128xf32, #tpu.memory_space<hbm>>)
    %dma_wait3A_411 = arith.constant 0 : i32
    %dma_wait3A_412 = arith.constant 0 : i32
    %dma_wait3A_413 = tpu.memref_slice %arg4[%add3A_398, %dma_wait3A_411, %dma_wait3A_412] : memref<8192x16x128xf32, #tpu.memory_space<hbm>> -> memref<16x16x128xf32, #tpu.memory_space<hbm>>
    %dma_wait3A_414 = arith.constant 0 : i32
    %dma_wait3A_415 = arith.constant 0 : i32
    %dma_wait3A_416 = tpu.memref_slice %arg4[%add3A_398, %dma_wait3A_414, %dma_wait3A_415] : memref<8192x16x128xf32, #tpu.memory_space<hbm>> -> memref<16x16x128xf32, #tpu.memory_space<hbm>>
    tpu.wait_dma2 semaphore(%arg11 : memref<!tpu.dma_semaphore, #tpu.memory_space<semaphore_mem>>) src(%arg7 : memref<16x16x128xf32, #tpu.memory_space<vmem>>) dst(%dma_wait3A_416 : memref<16x16x128xf32, #tpu.memory_space<hbm>>)
    return
  }
}

module attributes {stable_mosaic.version = 14 : i64} {
  func.func @_top2_body(%arg0: i32, %arg1: memref<256x1xf32, #tpu.memory_space<vmem>>, %arg2: memref<1x1000xf32, #tpu.memory_space<vmem>>, %arg3: memref<256x64xf32, #tpu.memory_space<vmem>>, %arg4: memref<1000x64xf32, #tpu.memory_space<vmem>>, %arg5: memref<256x8xi32, #tpu.memory_space<vmem>>) attributes {dimension_semantics = [#tpu.dimension_semantics<arbitrary>], iteration_bounds = array<i64: 16>, scalar_prefetch = 0 : i64, scratch_operands = 0 : i64, tpu.core_type = #tpu.core_type<tc>, window_params = [{transform_indices = @transform_0, window_bounds = array<i64: 256, 1>}, {pipeline_mode = #tpu.pipeline_mode<synchronous>, transform_indices = @transform_1, window_bounds = array<i64: 1, 1000>}, {transform_indices = @transform_2, window_bounds = array<i64: 256, 64>}, {pipeline_mode = #tpu.pipeline_mode<synchronous>, transform_indices = @transform_3, window_bounds = array<i64: 1000, 64>}, {transform_indices = @transform_4, window_bounds = array<i64: 256, 8>}]} {
    %get3A = arith.constant 0 : index
    %get3A_0 = arith.constant 0 : index
    %get3A_1 = vector.load %arg3[%get3A, %get3A_0] : memref<256x64xf32, #tpu.memory_space<vmem>>, vector<256x64xf32>
    %get3A_2 = arith.constant 0 : index
    %get3A_3 = arith.constant 0 : index
    %get3A_4 = vector.load %arg4[%get3A_2, %get3A_3] : memref<1000x64xf32, #tpu.memory_space<vmem>>, vector<1000x64xf32>
    %dot_general3A = arith.constant dense<0.000000e+00> : vector<256x1000xf32>
    %dot_general3A_5 = tpu.matmul %get3A_1, %get3A_4, %dot_general3A {dimension_numbers = #tpu.dot_dimension_numbers<[1], [1], [0], [0], [0, 0, 1, 0], [], []>, transpose_lhs_hint = false} : vector<256x64xf32>, vector<1000x64xf32>, vector<256x1000xf32> -> vector<256x1000xf32>
    %get3A_6 = arith.constant 0 : index
    %get3A_7 = arith.constant 0 : index
    %get3A_8 = vector.load %arg1[%get3A_6, %get3A_7] : memref<256x1xf32, #tpu.memory_space<vmem>>, vector<256x1xf32>
    %mul3A = arith.constant 2.000000e+00 : f32
    %mul3A_9 = vector.broadcast %mul3A : f32 to vector<256x1000xf32>
    %mul3A_10 = arith.mulf %mul3A_9, %dot_general3A_5 : vector<256x1000xf32>
    %sub3A = vector.broadcast %get3A_8 : vector<256x1xf32> to vector<256x1000xf32>
    %sub3A_11 = arith.subf %sub3A, %mul3A_10 : vector<256x1000xf32>
    %get3A_12 = arith.constant 0 : index
    %get3A_13 = arith.constant 0 : index
    %get3A_14 = vector.load %arg2[%get3A_12, %get3A_13] : memref<1x1000xf32, #tpu.memory_space<vmem>>, vector<1x1000xf32>
    %add3A = vector.broadcast %get3A_14 : vector<1x1000xf32> to vector<256x1000xf32>
    %add3A_15 = arith.addf %sub3A_11, %add3A : vector<256x1000xf32>
    %iota3A = tpu.iota {dimensions = array<i32: 1>} : vector<256x1000xi32>
    %reduce_min3A = arith.constant dense<0x7F800000> : vector<256xf32>
    %reduce_min3A_16 = vector.multi_reduction <minimumf>, %add3A_15, %reduce_min3A [1] : vector<256x1000xf32> to vector<256xf32>
    %broadcast_in_dim3A = vector.shape_cast %reduce_min3A_16 : vector<256xf32> to vector<256x1xf32>
    %eq3A = vector.broadcast %broadcast_in_dim3A : vector<256x1xf32> to vector<256x1000xf32>
    %eq3A_17 = arith.cmpf oeq, %add3A_15, %eq3A : vector<256x1000xf32>
    %jit3A = arith.constant 1073741824 : i32
    %broadcast_in_dim3A_18 = vector.broadcast %jit3A : i32 to vector<256x1000xi32>
    %select_n3A = arith.select %eq3A_17, %iota3A, %broadcast_in_dim3A_18 : vector<256x1000xi1>, vector<256x1000xi32>
    %reduce_min3A_19 = arith.constant dense<2147483647> : vector<256xi32>
    %reduce_min3A_20 = vector.multi_reduction <minsi>, %select_n3A, %reduce_min3A_19 [1] : vector<256x1000xi32> to vector<256xi32>
    %broadcast_in_dim3A_21 = vector.shape_cast %reduce_min3A_20 : vector<256xi32> to vector<256x1xi32>
    %eq3A_22 = vector.broadcast %broadcast_in_dim3A_21 : vector<256x1xi32> to vector<256x1000xi32>
    %eq3A_23 = arith.cmpi eq, %iota3A, %eq3A_22 : vector<256x1000xi32>
    %jit3A_24 = arith.constant 3.000000e+38 : f32
    %broadcast_in_dim3A_25 = vector.broadcast %jit3A_24 : f32 to vector<256x1000xf32>
    %select_n3A_26 = arith.select %eq3A_23, %broadcast_in_dim3A_25, %add3A_15 : vector<256x1000xi1>, vector<256x1000xf32>
    %reduce_min3A_27 = arith.constant dense<0x7F800000> : vector<256xf32>
    %reduce_min3A_28 = vector.multi_reduction <minimumf>, %select_n3A_26, %reduce_min3A_27 [1] : vector<256x1000xf32> to vector<256xf32>
    %broadcast_in_dim3A_29 = vector.shape_cast %reduce_min3A_28 : vector<256xf32> to vector<256x1xf32>
    %eq3A_30 = vector.broadcast %broadcast_in_dim3A_29 : vector<256x1xf32> to vector<256x1000xf32>
    %eq3A_31 = arith.cmpf oeq, %select_n3A_26, %eq3A_30 : vector<256x1000xf32>
    %jit3A_32 = arith.constant 1073741824 : i32
    %broadcast_in_dim3A_33 = vector.broadcast %jit3A_32 : i32 to vector<256x1000xi32>
    %select_n3A_34 = arith.select %eq3A_31, %iota3A, %broadcast_in_dim3A_33 : vector<256x1000xi1>, vector<256x1000xi32>
    %reduce_min3A_35 = arith.constant dense<2147483647> : vector<256xi32>
    %reduce_min3A_36 = vector.multi_reduction <minsi>, %select_n3A_34, %reduce_min3A_35 [1] : vector<256x1000xi32> to vector<256xi32>
    %broadcast_in_dim3A_37 = vector.shape_cast %reduce_min3A_36 : vector<256xi32> to vector<256x1xi32>
    %broadcast_in_dim3A_38 = arith.constant 0 : i32
    %broadcast_in_dim3A_39 = vector.broadcast %broadcast_in_dim3A_38 : i32 to vector<256x6xi32>
    %concatenate3A = tpu.concatenate %broadcast_in_dim3A_21, %broadcast_in_dim3A_37, %broadcast_in_dim3A_39 in 1 : vector<256x1xi32>, vector<256x1xi32>, vector<256x6xi32> -> vector<256x8xi32>
    %swap3A = arith.constant 0 : index
    %swap3A_40 = arith.constant 0 : index
    %swap3A_41 = vector.load %arg5[%swap3A, %swap3A_40] : memref<256x8xi32, #tpu.memory_space<vmem>>, vector<256x8xi32>
    tpu.vector_store %arg5[%swap3A, %swap3A_40], %concatenate3A {strides = array<i32>} : memref<256x8xi32, #tpu.memory_space<vmem>>, vector<256x8xi32>,
    return
  }
  func.func @transform_0(%arg0: i32) -> (i32, i32) {
    %c0_i32 = arith.constant 0 : i32
    %c0_i32_0 = arith.constant 0 : i32
    return %arg0, %c0_i32 : i32, i32
  }
  func.func @transform_1(%arg0: i32) -> (i32, i32) {
    %c0_i32 = arith.constant 0 : i32
    %c0_i32_0 = arith.constant 0 : i32
    %c0_i32_1 = arith.constant 0 : i32
    return %c0_i32, %c0_i32_0 : i32, i32
  }
  func.func @transform_2(%arg0: i32) -> (i32, i32) {
    %c0_i32 = arith.constant 0 : i32
    %c0_i32_0 = arith.constant 0 : i32
    return %arg0, %c0_i32 : i32, i32
  }
  func.func @transform_3(%arg0: i32) -> (i32, i32) {
    %c0_i32 = arith.constant 0 : i32
    %c0_i32_0 = arith.constant 0 : i32
    %c0_i32_1 = arith.constant 0 : i32
    return %c0_i32, %c0_i32_0 : i32, i32
  }
  func.func @transform_4(%arg0: i32) -> (i32, i32) {
    %c0_i32 = arith.constant 0 : i32
    %c0_i32_0 = arith.constant 0 : i32
    return %arg0, %c0_i32 : i32, i32
  }
}

module attributes {stable_mosaic.version = 14 : i64} {
  func.func @_bias_body(%arg0: i32, %arg1: memref<200x64xf32, #tpu.memory_space<vmem>>, %arg2: memref<64x64xf32, #tpu.memory_space<vmem>>, %arg3: memref<200x16x128xf32, #tpu.memory_space<vmem>>, %arg4: memref<200x64xf32, #tpu.memory_space<vmem>>, %arg5: memref<200x128xf32, #tpu.memory_space<vmem>>) attributes {dimension_semantics = [#tpu.dimension_semantics<arbitrary>], iteration_bounds = array<i64: 5>, scalar_prefetch = 0 : i64, scratch_operands = 0 : i64, tpu.core_type = #tpu.core_type<tc>, window_params = [{transform_indices = @transform_0, window_bounds = array<i64: 200, 64>}, {pipeline_mode = #tpu.pipeline_mode<synchronous>, transform_indices = @transform_1, window_bounds = array<i64: 64, 64>}, {transform_indices = @transform_2, window_bounds = array<i64: 200, 16, 128>}, {transform_indices = @transform_3, window_bounds = array<i64: 200, 64>}, {transform_indices = @transform_4, window_bounds = array<i64: 200, 128>}]} {
    %get3A = arith.constant 0 : index
    %get3A_0 = arith.constant 0 : index
    %get3A_1 = arith.constant 0 : index
    %get3A_2 = vector.load %arg3[%get3A, %get3A_0, %get3A_1] : memref<200x16x128xf32, #tpu.memory_space<vmem>>, vector<200x16x128xf32>
    %bitcast_convert_type3A = tpu.bitcast %get3A_2 : vector<200x16x128xf32> -> vector<200x16x128xi32>
    %shift_left3A = arith.constant 16 : i32
    %shift_left3A_3 = vector.broadcast %shift_left3A : i32 to vector<200x16x128xi32>
    %shift_left3A_4 = arith.shli %bitcast_convert_type3A, %shift_left3A_3 : vector<200x16x128xi32>
    %bitcast_convert_type3A_5 = tpu.bitcast %shift_left3A_4 : vector<200x16x128xi32> -> vector<200x16x128xf32>
    %and3A = arith.constant -65536 : i32
    %and3A_6 = vector.broadcast %and3A : i32 to vector<200x16x128xi32>
    %and3A_7 = arith.andi %bitcast_convert_type3A, %and3A_6 : vector<200x16x128xi32>
    %bitcast_convert_type3A_8 = tpu.bitcast %and3A_7 : vector<200x16x128xi32> -> vector<200x16x128xf32>
    %get3A_9 = arith.constant 0 : index
    %get3A_10 = arith.constant 0 : index
    %get3A_11 = vector.load %arg1[%get3A_9, %get3A_10] : memref<200x64xf32, #tpu.memory_space<vmem>>, vector<200x64xf32>
    %get3A_12 = arith.constant 0 : index
    %get3A_13 = arith.constant 0 : index
    %get3A_14 = vector.load %arg2[%get3A_12, %get3A_13] : memref<64x64xf32, #tpu.memory_space<vmem>>, vector<64x64xf32>
    %dot_general3A = arith.constant dense<0.000000e+00> : vector<200x64xf32>
    %dot_general3A_15 = tpu.matmul %get3A_11, %get3A_14, %dot_general3A {dimension_numbers = #tpu.dot_dimension_numbers<[1], [0], [0], [1], [0, 0, 1, 1], [], []>, precision = #tpu.contract_precision<fp32>, transpose_lhs_hint = false} : vector<200x64xf32>, vector<64x64xf32>, vector<200x64xf32> -> vector<200x64xf32>
    %slice3A = vector.extract_strided_slice %dot_general3A_15 {offsets = [0, 0], sizes = [200, 16], strides = [1, 1]} : vector<200x64xf32> to vector<200x16xf32>
    %slice3A_16 = vector.extract_strided_slice %dot_general3A_15 {offsets = [0, 16], sizes = [200, 16], strides = [1, 1]} : vector<200x64xf32> to vector<200x16xf32>
    %slice3A_17 = vector.extract_strided_slice %dot_general3A_15 {offsets = [0, 32], sizes = [200, 16], strides = [1, 1]} : vector<200x64xf32> to vector<200x16xf32>
    %slice3A_18 = vector.extract_strided_slice %dot_general3A_15 {offsets = [0, 48], sizes = [200, 16], strides = [1, 1]} : vector<200x64xf32> to vector<200x16xf32>
    %iota3A = tpu.iota {dimensions = array<i32: 2>} : vector<1x1x128xi32>
    %lt3A = arith.constant 64 : i32
    %lt3A_19 = vector.broadcast %lt3A : i32 to vector<1x1x128xi32>
    %lt3A_20 = arith.cmpi slt, %iota3A, %lt3A_19 : vector<1x1x128xi32>
    %broadcast_in_dim3A = vector.shape_cast %slice3A : vector<200x16xf32> to vector<200x16x1xf32>
    %broadcast_in_dim3A_21 = vector.shape_cast %slice3A_16 : vector<200x16xf32> to vector<200x16x1xf32>
    %broadcast_in_dim3A_22 = vector.shape_cast %lt3A_20 : vector<1x1x128xi1> to vector<1x1x128xi1>
    %broadcast_in_dim3A_23 = vector.broadcast %broadcast_in_dim3A_22 : vector<1x1x128xi1> to vector<200x16x128xi1>
    %broadcast_in_dim3A_24 = vector.shape_cast %broadcast_in_dim3A : vector<200x16x1xf32> to vector<200x16x1xf32>
    %broadcast_in_dim3A_25 = vector.broadcast %broadcast_in_dim3A_24 : vector<200x16x1xf32> to vector<200x16x128xf32>
    %broadcast_in_dim3A_26 = vector.shape_cast %broadcast_in_dim3A_21 : vector<200x16x1xf32> to vector<200x16x1xf32>
    %broadcast_in_dim3A_27 = vector.broadcast %broadcast_in_dim3A_26 : vector<200x16x1xf32> to vector<200x16x128xf32>
    %select_n3A = arith.select %broadcast_in_dim3A_23, %broadcast_in_dim3A_25, %broadcast_in_dim3A_27 : vector<200x16x128xi1>, vector<200x16x128xf32>
    %lt3A_28 = arith.constant 64 : i32
    %lt3A_29 = vector.broadcast %lt3A_28 : i32 to vector<1x1x128xi32>
    %lt3A_30 = arith.cmpi slt, %iota3A, %lt3A_29 : vector<1x1x128xi32>
    %broadcast_in_dim3A_31 = vector.shape_cast %slice3A_17 : vector<200x16xf32> to vector<200x16x1xf32>
    %broadcast_in_dim3A_32 = vector.shape_cast %slice3A_18 : vector<200x16xf32> to vector<200x16x1xf32>
    %broadcast_in_dim3A_33 = vector.shape_cast %lt3A_30 : vector<1x1x128xi1> to vector<1x1x128xi1>
    %broadcast_in_dim3A_34 = vector.broadcast %broadcast_in_dim3A_33 : vector<1x1x128xi1> to vector<200x16x128xi1>
    %broadcast_in_dim3A_35 = vector.shape_cast %broadcast_in_dim3A_31 : vector<200x16x1xf32> to vector<200x16x1xf32>
    %broadcast_in_dim3A_36 = vector.broadcast %broadcast_in_dim3A_35 : vector<200x16x1xf32> to vector<200x16x128xf32>
    %broadcast_in_dim3A_37 = vector.shape_cast %broadcast_in_dim3A_32 : vector<200x16x1xf32> to vector<200x16x1xf32>
    %broadcast_in_dim3A_38 = vector.broadcast %broadcast_in_dim3A_37 : vector<200x16x1xf32> to vector<200x16x128xf32>
    %select_n3A_39 = arith.select %broadcast_in_dim3A_34, %broadcast_in_dim3A_36, %broadcast_in_dim3A_38 : vector<200x16x128xi1>, vector<200x16x128xf32>
    %mul3A = arith.mulf %bitcast_convert_type3A_5, %select_n3A : vector<200x16x128xf32>
    %mul3A_40 = arith.mulf %bitcast_convert_type3A_8, %select_n3A_39 : vector<200x16x128xf32>
    %add3A = arith.addf %mul3A, %mul3A_40 : vector<200x16x128xf32>
    %reduce_sum3A = arith.constant dense<0.000000e+00> : vector<200x128xf32>
    %reduce_sum3A_41 = vector.multi_reduction <add>, %add3A, %reduce_sum3A [1] : vector<200x16x128xf32> to vector<200x128xf32>
    %slice3A_42 = vector.extract_strided_slice %reduce_sum3A_41 {offsets = [0, 0], sizes = [200, 64], strides = [1, 1]} : vector<200x128xf32> to vector<200x64xf32>
    %slice3A_43 = vector.extract_strided_slice %reduce_sum3A_41 {offsets = [0, 64], sizes = [200, 64], strides = [1, 1]} : vector<200x128xf32> to vector<200x64xf32>
    %add3A_44 = arith.addf %slice3A_42, %slice3A_43 : vector<200x64xf32>
    %get3A_45 = arith.constant 0 : index
    %get3A_46 = arith.constant 0 : index
    %get3A_47 = vector.load %arg4[%get3A_45, %get3A_46] : memref<200x64xf32, #tpu.memory_space<vmem>>, vector<200x64xf32>
    %sub3A = arith.subf %get3A_47, %add3A_44 : vector<200x64xf32>
    %broadcast_in_dim3A_48 = arith.constant 0.000000e+00 : f32
    %broadcast_in_dim3A_49 = vector.broadcast %broadcast_in_dim3A_48 : f32 to vector<200x64xf32>
    %concatenate3A = tpu.concatenate %sub3A, %broadcast_in_dim3A_49 in 1 : vector<200x64xf32>, vector<200x64xf32> -> vector<200x128xf32>
    %swap3A = arith.constant 0 : index
    %swap3A_50 = arith.constant 0 : index
    %swap3A_51 = vector.load %arg5[%swap3A, %swap3A_50] : memref<200x128xf32, #tpu.memory_space<vmem>>, vector<200x128xf32>
    tpu.vector_store %arg5[%swap3A, %swap3A_50], %concatenate3A {strides = array<i32>} : memref<200x128xf32, #tpu.memory_space<vmem>>, vector<200x128xf32>,
    return
  }
  func.func @transform_0(%arg0: i32) -> (i32, i32) {
    %c0_i32 = arith.constant 0 : i32
    %c0_i32_0 = arith.constant 0 : i32
    return %arg0, %c0_i32 : i32, i32
  }
  func.func @transform_1(%arg0: i32) -> (i32, i32) {
    %c0_i32 = arith.constant 0 : i32
    %c0_i32_0 = arith.constant 0 : i32
    %c0_i32_1 = arith.constant 0 : i32
    return %c0_i32, %c0_i32_0 : i32, i32
  }
  func.func @transform_2(%arg0: i32) -> (i32, i32, i32) {
    %c0_i32 = arith.constant 0 : i32
    %c0_i32_0 = arith.constant 0 : i32
    %c0_i32_1 = arith.constant 0 : i32
    return %arg0, %c0_i32, %c0_i32_0 : i32, i32, i32
  }
  func.func @transform_3(%arg0: i32) -> (i32, i32) {
    %c0_i32 = arith.constant 0 : i32
    %c0_i32_0 = arith.constant 0 : i32
    return %arg0, %c0_i32 : i32, i32
  }
  func.func @transform_4(%arg0: i32) -> (i32, i32) {
    %c0_i32 = arith.constant 0 : i32
    %c0_i32_0 = arith.constant 0 : i32
    return %arg0, %c0_i32 : i32, i32
  }
}

module attributes {stable_mosaic.version = 14 : i64} {
  func.func @_combine_body(%arg0: i32, %arg1: memref<512x64xf32, #tpu.memory_space<vmem>>, %arg2: memref<64x64xf32, #tpu.memory_space<vmem>>, %arg3: memref<512x16x128xf32, #tpu.memory_space<vmem>>, %arg4: memref<512x16x128xf32, #tpu.memory_space<vmem>>, %arg5: memref<512x128xf32, #tpu.memory_space<vmem>>, %arg6: memref<512x128xf32, #tpu.memory_space<vmem>>, %arg7: memref<64x512xf32, #tpu.memory_space<vmem>>) attributes {dimension_semantics = [#tpu.dimension_semantics<arbitrary>], iteration_bounds = array<i64: 8>, scalar_prefetch = 0 : i64, scratch_operands = 0 : i64, tpu.core_type = #tpu.core_type<tc>, window_params = [{transform_indices = @transform_0, window_bounds = array<i64: 512, 64>}, {pipeline_mode = #tpu.pipeline_mode<synchronous>, transform_indices = @transform_1, window_bounds = array<i64: 64, 64>}, {transform_indices = @transform_2, window_bounds = array<i64: 512, 16, 128>}, {transform_indices = @transform_3, window_bounds = array<i64: 512, 16, 128>}, {transform_indices = @transform_4, window_bounds = array<i64: 512, 128>}, {transform_indices = @transform_5, window_bounds = array<i64: 512, 128>}, {transform_indices = @transform_6, window_bounds = array<i64: 64, 512>}]} {
    %get3A = arith.constant 0 : index
    %get3A_0 = arith.constant 0 : index
    %get3A_1 = vector.load %arg1[%get3A, %get3A_0] : memref<512x64xf32, #tpu.memory_space<vmem>>, vector<512x64xf32>
    %get3A_2 = arith.constant 0 : index
    %get3A_3 = arith.constant 0 : index
    %get3A_4 = vector.load %arg2[%get3A_2, %get3A_3] : memref<64x64xf32, #tpu.memory_space<vmem>>, vector<64x64xf32>
    %dot_general3A = arith.constant dense<0.000000e+00> : vector<512x64xf32>
    %dot_general3A_5 = tpu.matmul %get3A_1, %get3A_4, %dot_general3A {dimension_numbers = #tpu.dot_dimension_numbers<[1], [0], [0], [1], [0, 0, 1, 1], [], []>, precision = #tpu.contract_precision<fp32>, transpose_lhs_hint = false} : vector<512x64xf32>, vector<64x64xf32>, vector<512x64xf32> -> vector<512x64xf32>
    %slice3A = vector.extract_strided_slice %dot_general3A_5 {offsets = [0, 0], sizes = [512, 16], strides = [1, 1]} : vector<512x64xf32> to vector<512x16xf32>
    %slice3A_6 = vector.extract_strided_slice %dot_general3A_5 {offsets = [0, 16], sizes = [512, 16], strides = [1, 1]} : vector<512x64xf32> to vector<512x16xf32>
    %slice3A_7 = vector.extract_strided_slice %dot_general3A_5 {offsets = [0, 32], sizes = [512, 16], strides = [1, 1]} : vector<512x64xf32> to vector<512x16xf32>
    %slice3A_8 = vector.extract_strided_slice %dot_general3A_5 {offsets = [0, 48], sizes = [512, 16], strides = [1, 1]} : vector<512x64xf32> to vector<512x16xf32>
    %iota3A = tpu.iota {dimensions = array<i32: 2>} : vector<1x1x128xi32>
    %lt3A = arith.constant 64 : i32
    %lt3A_9 = vector.broadcast %lt3A : i32 to vector<1x1x128xi32>
    %lt3A_10 = arith.cmpi slt, %iota3A, %lt3A_9 : vector<1x1x128xi32>
    %broadcast_in_dim3A = vector.shape_cast %slice3A : vector<512x16xf32> to vector<512x16x1xf32>
    %broadcast_in_dim3A_11 = vector.shape_cast %slice3A_6 : vector<512x16xf32> to vector<512x16x1xf32>
    %broadcast_in_dim3A_12 = vector.shape_cast %lt3A_10 : vector<1x1x128xi1> to vector<1x1x128xi1>
    %broadcast_in_dim3A_13 = vector.broadcast %broadcast_in_dim3A_12 : vector<1x1x128xi1> to vector<512x16x128xi1>
    %broadcast_in_dim3A_14 = vector.shape_cast %broadcast_in_dim3A : vector<512x16x1xf32> to vector<512x16x1xf32>
    %broadcast_in_dim3A_15 = vector.broadcast %broadcast_in_dim3A_14 : vector<512x16x1xf32> to vector<512x16x128xf32>
    %broadcast_in_dim3A_16 = vector.shape_cast %broadcast_in_dim3A_11 : vector<512x16x1xf32> to vector<512x16x1xf32>
    %broadcast_in_dim3A_17 = vector.broadcast %broadcast_in_dim3A_16 : vector<512x16x1xf32> to vector<512x16x128xf32>
    %select_n3A = arith.select %broadcast_in_dim3A_13, %broadcast_in_dim3A_15, %broadcast_in_dim3A_17 : vector<512x16x128xi1>, vector<512x16x128xf32>
    %lt3A_18 = arith.constant 64 : i32
    %lt3A_19 = vector.broadcast %lt3A_18 : i32 to vector<1x1x128xi32>
    %lt3A_20 = arith.cmpi slt, %iota3A, %lt3A_19 : vector<1x1x128xi32>
    %broadcast_in_dim3A_21 = vector.shape_cast %slice3A_7 : vector<512x16xf32> to vector<512x16x1xf32>
    %broadcast_in_dim3A_22 = vector.shape_cast %slice3A_8 : vector<512x16xf32> to vector<512x16x1xf32>
    %broadcast_in_dim3A_23 = vector.shape_cast %lt3A_20 : vector<1x1x128xi1> to vector<1x1x128xi1>
    %broadcast_in_dim3A_24 = vector.broadcast %broadcast_in_dim3A_23 : vector<1x1x128xi1> to vector<512x16x128xi1>
    %broadcast_in_dim3A_25 = vector.shape_cast %broadcast_in_dim3A_21 : vector<512x16x1xf32> to vector<512x16x1xf32>
    %broadcast_in_dim3A_26 = vector.broadcast %broadcast_in_dim3A_25 : vector<512x16x1xf32> to vector<512x16x128xf32>
    %broadcast_in_dim3A_27 = vector.shape_cast %broadcast_in_dim3A_22 : vector<512x16x1xf32> to vector<512x16x1xf32>
    %broadcast_in_dim3A_28 = vector.broadcast %broadcast_in_dim3A_27 : vector<512x16x1xf32> to vector<512x16x128xf32>
    %select_n3A_29 = arith.select %broadcast_in_dim3A_24, %broadcast_in_dim3A_26, %broadcast_in_dim3A_28 : vector<512x16x128xi1>, vector<512x16x128xf32>
    %get3A_30 = arith.constant 0 : index
    %get3A_31 = arith.constant 0 : index
    %get3A_32 = arith.constant 0 : index
    %get3A_33 = vector.load %arg3[%get3A_30, %get3A_31, %get3A_32] : memref<512x16x128xf32, #tpu.memory_space<vmem>>, vector<512x16x128xf32>
    %bitcast_convert_type3A = tpu.bitcast %get3A_33 : vector<512x16x128xf32> -> vector<512x16x128xi32>
    %shift_left3A = arith.constant 16 : i32
    %shift_left3A_34 = vector.broadcast %shift_left3A : i32 to vector<512x16x128xi32>
    %shift_left3A_35 = arith.shli %bitcast_convert_type3A, %shift_left3A_34 : vector<512x16x128xi32>
    %bitcast_convert_type3A_36 = tpu.bitcast %shift_left3A_35 : vector<512x16x128xi32> -> vector<512x16x128xf32>
    %and3A = arith.constant -65536 : i32
    %and3A_37 = vector.broadcast %and3A : i32 to vector<512x16x128xi32>
    %and3A_38 = arith.andi %bitcast_convert_type3A, %and3A_37 : vector<512x16x128xi32>
    %bitcast_convert_type3A_39 = tpu.bitcast %and3A_38 : vector<512x16x128xi32> -> vector<512x16x128xf32>
    %get3A_40 = arith.constant 0 : index
    %get3A_41 = arith.constant 0 : index
    %get3A_42 = arith.constant 0 : index
    %get3A_43 = vector.load %arg4[%get3A_40, %get3A_41, %get3A_42] : memref<512x16x128xf32, #tpu.memory_space<vmem>>, vector<512x16x128xf32>
    %bitcast_convert_type3A_44 = tpu.bitcast %get3A_43 : vector<512x16x128xf32> -> vector<512x16x128xi32>
    %shift_left3A_45 = arith.constant 16 : i32
    %shift_left3A_46 = vector.broadcast %shift_left3A_45 : i32 to vector<512x16x128xi32>
    %shift_left3A_47 = arith.shli %bitcast_convert_type3A_44, %shift_left3A_46 : vector<512x16x128xi32>
    %bitcast_convert_type3A_48 = tpu.bitcast %shift_left3A_47 : vector<512x16x128xi32> -> vector<512x16x128xf32>
    %and3A_49 = arith.constant -65536 : i32
    %and3A_50 = vector.broadcast %and3A_49 : i32 to vector<512x16x128xi32>
    %and3A_51 = arith.andi %bitcast_convert_type3A_44, %and3A_50 : vector<512x16x128xi32>
    %bitcast_convert_type3A_52 = tpu.bitcast %and3A_51 : vector<512x16x128xi32> -> vector<512x16x128xf32>
    %add3A = arith.addf %bitcast_convert_type3A_36, %bitcast_convert_type3A_48 : vector<512x16x128xf32>
    %mul3A = arith.mulf %add3A, %select_n3A : vector<512x16x128xf32>
    %add3A_53 = arith.addf %bitcast_convert_type3A_39, %bitcast_convert_type3A_52 : vector<512x16x128xf32>
    %mul3A_54 = arith.mulf %add3A_53, %select_n3A_29 : vector<512x16x128xf32>
    %add3A_55 = arith.addf %mul3A, %mul3A_54 : vector<512x16x128xf32>
    %reduce_sum3A = arith.constant dense<0.000000e+00> : vector<512x128xf32>
    %reduce_sum3A_56 = vector.multi_reduction <add>, %add3A_55, %reduce_sum3A [1] : vector<512x16x128xf32> to vector<512x128xf32>
    %slice3A_57 = vector.extract_strided_slice %reduce_sum3A_56 {offsets = [0, 0], sizes = [512, 64], strides = [1, 1]} : vector<512x128xf32> to vector<512x64xf32>
    %slice3A_58 = vector.extract_strided_slice %reduce_sum3A_56 {offsets = [0, 64], sizes = [512, 64], strides = [1, 1]} : vector<512x128xf32> to vector<512x64xf32>
    %add3A_59 = arith.addf %slice3A_57, %slice3A_58 : vector<512x64xf32>
    %get3A_60 = arith.constant 0 : index
    %get3A_61 = arith.constant 0 : index
    %get3A_62 = vector.load %arg5[%get3A_60, %get3A_61] : memref<512x128xf32, #tpu.memory_space<vmem>>, vector<512x128xf32>
    %slice3A_63 = vector.extract_strided_slice %get3A_62 {offsets = [0, 0], sizes = [512, 64], strides = [1, 1]} : vector<512x128xf32> to vector<512x64xf32>
    %add3A_64 = arith.addf %add3A_59, %slice3A_63 : vector<512x64xf32>
    %get3A_65 = arith.constant 0 : index
    %get3A_66 = arith.constant 0 : index
    %get3A_67 = vector.load %arg6[%get3A_65, %get3A_66] : memref<512x128xf32, #tpu.memory_space<vmem>>, vector<512x128xf32>
    %slice3A_68 = vector.extract_strided_slice %get3A_67 {offsets = [0, 0], sizes = [512, 64], strides = [1, 1]} : vector<512x128xf32> to vector<512x64xf32>
    %add3A_69 = arith.addf %add3A_64, %slice3A_68 : vector<512x64xf32>
    %transpose3A = tpu.transpose %add3A_69, [1, 0] : vector<512x64xf32> -> vector<64x512xf32>
    %swap3A = arith.constant 0 : index
    %swap3A_70 = arith.constant 0 : index
    %swap3A_71 = vector.load %arg7[%swap3A, %swap3A_70] : memref<64x512xf32, #tpu.memory_space<vmem>>, vector<64x512xf32>
    tpu.vector_store %arg7[%swap3A, %swap3A_70], %transpose3A {strides = array<i32>} : memref<64x512xf32, #tpu.memory_space<vmem>>, vector<64x512xf32>,
    return
  }
  func.func @transform_0(%arg0: i32) -> (i32, i32) {
    %c0_i32 = arith.constant 0 : i32
    %c0_i32_0 = arith.constant 0 : i32
    return %arg0, %c0_i32 : i32, i32
  }
  func.func @transform_1(%arg0: i32) -> (i32, i32) {
    %c0_i32 = arith.constant 0 : i32
    %c0_i32_0 = arith.constant 0 : i32
    %c0_i32_1 = arith.constant 0 : i32
    return %c0_i32, %c0_i32_0 : i32, i32
  }
  func.func @transform_2(%arg0: i32) -> (i32, i32, i32) {
    %c0_i32 = arith.constant 0 : i32
    %c0_i32_0 = arith.constant 0 : i32
    %c0_i32_1 = arith.constant 0 : i32
    return %arg0, %c0_i32, %c0_i32_0 : i32, i32, i32
  }
  func.func @transform_3(%arg0: i32) -> (i32, i32, i32) {
    %add3A = arith.constant 8 : i32
    %add3A_0 = arith.addi %arg0, %add3A : i32
    %c0_i32 = arith.constant 0 : i32
    %c0_i32_1 = arith.constant 0 : i32
    %c0_i32_2 = arith.constant 0 : i32
    return %add3A_0, %c0_i32, %c0_i32_1 : i32, i32, i32
  }
  func.func @transform_4(%arg0: i32) -> (i32, i32) {
    %c0_i32 = arith.constant 0 : i32
    %c0_i32_0 = arith.constant 0 : i32
    return %arg0, %c0_i32 : i32, i32
  }
  func.func @transform_5(%arg0: i32) -> (i32, i32) {
    %add3A = arith.constant 8 : i32
    %add3A_0 = arith.addi %arg0, %add3A : i32
    %c0_i32 = arith.constant 0 : i32
    %c0_i32_1 = arith.constant 0 : i32
    return %add3A_0, %c0_i32 : i32, i32
  }
  func.func @transform_6(%arg0: i32) -> (i32, i32) {
    %c0_i32 = arith.constant 0 : i32
    %c0_i32_0 = arith.constant 0 : i32
    return %c0_i32, %arg0 : i32, i32
  }
}

</mosaic_0001>

<sc_bundles>
// kernel: kernel.10.cloned.1.call-start
scs
__scs_entry_jumppad:
0x0: {  	(pc) =	sbr.rel $0x88, $3  }
0x1: {  	(tag) =	ssettag $0x0;
	lr =	simm.s32 $0x1  }
0x2: {  	[smem:$0x3F9D] =	sst lr;
	_ =	strace $0xD0000000  }
0x3: {  	_ = 	snop  }
0x4: {  	_ = 	snop  }
0x5: {  	_ = 	snop  }
0x6: {  	_ = 	snop  }
0x7: {  	_ = 	snop  }
__scs_overlays_trampoline_lowered:
0x8: {  	[smem:$0x3FAC] =	sst s0  }
0x9: {  	[smem:$0x3FAD] =	sst s1  }
0xa: {  	[smem:$0x3FAE] =	sst s2  }
0xb: {  	[smem:$0x3FAF] =	sst s3  }
0xc: {  	[smem:$0x3FB0] =	sst s4  }
0xd: {  	[smem:$0x3FB1] =	sst s5  }
0xe: {  	[smem:$0x3FB2] =	sst s6  }
0xf: {  	[smem:$0x3FB3] =	sst s7  }
0x10: {  	[smem:$0x3FB4] =	sst s8  }
0x11: {  	[smem:$0x3FB5] =	sst s9;
	s0 =	simm.s32 @!p0 $0x0  }
0x12: {  	s1 =	sld [smem:$0x3F9B];
	s0 =	simm.s32 @p0 $0x1  }
0x13: {  	[smem:$0x3FB6] =	sst s0;
	s0 =	simm.s32 @!p1 $0x0  }
0x14: {  	s2 =	sld [smem:$0x3F9A];
	s0 =	simm.s32 @p1 $0x1  }
0x15: {  	[smem:$0x3FB7] =	sst s0;
	s0 =	simm.s32 @!p2 $0x0  }
0x16: {  	s3 =	sld [smem:$0x3FDB];
	s0 =	simm.s32 @p2 $0x1  }
0x17: {  	s4 =	simm.s32 $0x1BF5;
	[smem:$0x3FB9] =	sst s0  }
0x18: {  	s0 =	sld [smem:$0x3F9C];
	_ =	swait.ge [sflag:s4], $0x0  }
0x19: {  	s7 =	sld [smem:$0x3F9D]  }
0x1a: {  	s8 =	sadd.s32 $0xFFFFE003, lr  }
0x1b: {  	s9 =	sadd.s32 $0xFFFFFEF7, lr;
	s5 =	simm.s32 $0xFFFFFFFF;
	p2 =	slt.u32 s8, $0xFFFFF086  }
0x1c: {  	p1 =	slt.u32 s9, $0xF7A;
	s5 =	simm.s32 @!p2 $0x0  }
0x1d: {  	s5 =	simm.s32 @p1 $0x1;
	p0 =	seq.s32 s7, s2  }
0x1e: {  	s7 =	smul.u32 @!p0 $0xF7A, s2;
	p2 =	seq.s32 @!p0 s5, $0x0  }
0x1f: {  	s9 =	smul.u32 $0xF7A, s1;
	s8 =	simm.s32 @!p0 $0x1BF5;
	p2 =	por !p2, p0  }
0x20: {  	[sflag:s8] =	ssyncset.s32 @!p0 $0xFFFFF086;
	s6 =	sadd.s32 @!p0 s3, s7;
	s7 =	simm.s32 @!p0 $0x108  }
0x21: {  	s3 =	sadd.s32 s3, s9;
	s6 =	sadd.s32 @!p0 $0x88, s6;
	s7 =	simm.s32 @p2 $0x1082  }
0x22: {  	[simem:s7], [sflag:s8] =	dma.local @!p0 [hbm:s6], $0xF7A  }
0x23: {  	s9 =	sor.u32 $0xD0000000, s2;
	s6 =	simm.s32 $0x108;
	_ =	swait.ge @!p0 [sflag:s8], $0x0  }
0x24: {  	s3 =	sadd.s32 $0x88, s3;
	s6 =	simm.s32 @!p1 $0x1082;
	[sflag:s4] =	ssyncset.s32 $0xFFFFF086  }
0x25: {  	[simem:s6], [sflag:s4] =	dma.local [hbm:s3], $0xF7A  }
0x26: {  	[smem:$0x3F9D] =	sst s1;
	(tag) =	ssettag s2;
	_ =	strace s9  }
0x27: {  	s1 =	sld [smem:$0x3FAD]  }
0x28: {  	s2 =	sld [smem:$0x3FAE]  }
0x29: {  	s4 =	sld [smem:$0x3FB0]  }
0x2a: {  	p0 =	seq.s32 s5, $0x0;
	s5 =	sld [smem:$0x3FB1]  }
0x2b: {  	s6 =	sld [smem:$0x3FB2]  }
0x2c: {  	s7 =	sld [smem:$0x3FB3]  }
0x2d: {  	s3 =	simm.s32 $0x108;
	s8 =	sld [smem:$0x3FB4]  }
0x2e: {  	s3 =	simm.s32 @!p0 $0x1082;
	s9 =	sld [smem:$0x3FB5]  }
0x2f: {  	lr =	sadd.s32 s0, s3;
	s0 =	sld [smem:$0x3FAC]  }
0x30: {  	s3 =	sld [smem:$0x3FAF]  }
0x31: {  	[smem:$0x3FB8] =	sst s10  }
0x32: {  	s10 =	sld [smem:$0x3FB6];
	_ =	sdelay $0x3  }
0x33: {  	p0 =	seq.s32 s10, $0x1;
	s10 =	sld [smem:$0x3FB8];
	_ =	sdelay $0x3  }
0x34: {  	[smem:$0x3FB8] =	sst s10  }
0x35: {  	s10 =	sld [smem:$0x3FB7];
	_ =	sdelay $0x3  }
0x36: {  	p1 =	seq.s32 s10, $0x1;
	s10 =	sld [smem:$0x3FB8];
	_ =	sdelay $0x3  }
0x37: {  	[smem:$0x3FB8] =	sst s10  }
0x38: {  	s10 =	sld [smem:$0x3FB9]  }
0x39: {  	_ = 	snop;
	(pc) =	sbr.ind lr, $3  }
0x3a: {  	_ = 	snop  }
0x3b: {  	_ = 	snop  }
0x3c: {  	p2 =	seq.s32 s10, $0x1;
	s10 =	sld [smem:$0x3FB8]  }
0x3d: {  	_ =	shalt  }
0x3e: {  	_ =	shalt  }
0x3f: {  	_ =	shalt  }
0x40: {  	_ =	shalt  }
0x41: {  	_ =	shalt  }
0x42: {  	_ =	shalt  }
0x43: {  	_ =	shalt  }
0x44: {  	_ =	shalt  }
0x45: {  	_ =	shalt  }
0x46: {  	_ =	shalt  }
0x47: {  	_ =	shalt  }
0x48: {  	_ =	shalt  }
0x49: {  	_ =	shalt  }
0x4a: {  	_ =	shalt  }
0x4b: {  	_ =	shalt  }
0x4c: {  	_ =	shalt  }
0x4d: {  	_ =	shalt  }
0x4e: {  	_ =	shalt  }
0x4f: {  	_ =	shalt  }
0x50: {  	_ =	shalt  }
0x51: {  	_ =	shalt  }
0x52: {  	_ =	shalt  }
0x53: {  	_ =	shalt  }
0x54: {  	_ =	shalt  }
0x55: {  	_ =	shalt  }
0x56: {  	_ =	shalt  }
0x57: {  	_ =	shalt  }
0x58: {  	_ =	shalt  }
0x59: {  	_ =	shalt  }
0x5a: {  	_ =	shalt  }
0x5b: {  	_ =	shalt  }
0x5c: {  	_ =	shalt  }
0x5d: {  	_ =	shalt  }
0x5e: {  	_ =	shalt  }
0x5f: {  	_ =	shalt  }
0x60: {  	_ =	shalt  }
0x61: {  	_ =	shalt  }
0x62: {  	_ =	shalt  }
0x63: {  	_ =	shalt  }
0x64: {  	_ =	shalt  }
0x65: {  	_ =	shalt  }
0x66: {  	_ =	shalt  }
0x67: {  	_ =	shalt  }
0x68: {  	_ =	shalt  }
0x69: {  	_ =	shalt  }
0x6a: {  	_ =	shalt  }
0x6b: {  	_ =	shalt  }
0x6c: {  	_ =	shalt  }
0x6d: {  	_ =	shalt  }
0x6e: {  	_ =	shalt  }
0x6f: {  	_ =	shalt  }
0x70: {  	_ =	shalt  }
0x71: {  	_ =	shalt  }
0x72: {  	_ =	shalt  }
0x73: {  	_ =	shalt  }
0x74: {  	_ =	shalt  }
0x75: {  	_ =	shalt  }
0x76: {  	_ =	shalt  }
0x77: {  	_ =	shalt  }
0x78: {  	_ =	shalt  }
0x79: {  	_ =	shalt  }
0x7a: {  	_ =	shalt  }
0x7b: {  	_ =	shalt  }
0x7c: {  	_ =	shalt  }
0x7d: {  	_ =	shalt  }
0x7e: {  	_ =	shalt  }
0x7f: {  	_ =	shalt  }
0x80: {  	_ =	shalt  }
0x81: {  	_ =	shalt  }
0x82: {  	_ =	shalt  }
0x83: {  	_ =	shalt  }
0x84: {  	_ =	shalt  }
0x85: {  	_ =	shalt  }
0x86: {  	_ =	shalt  }
0x87: {  	_ =	shalt  }
.Lfunc_end0:
.L_simem_size_0:
called_computation.1_lowered:
.L_overlay_start_0:
0x88: {  	s2 =	sld [smem:$0x3FD9]  }
0x89: {  	s3 =	sld [smem:$0x3FFE];
	_ =	sdelay $0x1  }
0x8a: {  	s1 =	srdreg.scid  }
0x8b: {  	s0 =	sand.u32 $0x1, s1  }
0x8c: {  	s17 =	sshll.u32 s0, $0xA;
	s2 =	sadd.s32 s3, s2  }
0x8d: {  	s2 =	sadd.s32 s2, s17  }
0x8e: {  	[smem:$0x3FC4] =	sst s2  }
0x8f: {  	_ = 	snop  }
0x90: {  	s18 =	sld [smem:$0x3FD0];
	(tm) =	ssettm $0x1  }
0x91: {  	s19 =	sld [smem:$0x3FFB];
	_ =	sdelay $0x3  }
0x92: {  	_ =	strace s19  }
0x93: {  	s2 =	sld [smem:$0x3FFC];
	_ =	sdelay $0x3  }
0x94: {  	_ =	strace s2  }
0x95: {  	s2 =	sld [smem:$0x3FFD];
	_ =	sdelay $0x3  }
0x96: {  	_ =	strace s2  }
0x97: {  	_ =	strace $0x8FFFFFFF  }
0x98: {  	s20 =	sld [smem:$0x3FDB];
	_ =	sdelay $0x1  }
0x99: {  	s4 =	simm.s32 $_scs_section_size  }
0x9a: {  	s5 =	simm.s32 $_size__tile_overlayer_lowered;
	s6 =	simm.s32 $_tile_overlayer_lowered  }
0x9b: {  	s7 =	simm.s32 $0x1BFF;
	s21 =	sshll.u32 s6, $0x1;
	s4 =	sadd.s32 s4, s20  }
0x9c: {  	s22 =	simm.s32 $0x0;
	s5 =	sshll.u32 s5, $0x1;
	s6 =	sadd.s32 s21, s4  }
0x9d: {  	[timem:s22], [sflag:s7] =	dma.local [hbm:s6], s5  }
0x9e: {  	_ =	swait.ge [sflag:s7], s5  }
0x9f: {  	s5 =	ssub.s32 $0x0, s5;
	[sflag:s7] =	ssyncset.done $0x0  }
0xa0: {  	[sflag:s7] =	ssyncadd.s32 s5;
	_ =	sdelay $0x1  }
0xa1: {  	s23 =	simm.s32 $0x1B8B  }
0xa2: {  	_ =	swait.ge [sflag:s23], $0x1  }
0xa3: {  	[sflag:s23] =	ssyncset.done $0x0  }
0xa4: {  	[sflag:s23] =	ssyncadd.s32 $0xFFFFFFFF  }
0xa5: {  	s5 =	sld [smem:$0x0]  }
0xa6: {  	s6 =	sand.u32 $0xFFFFFFFE, s1  }
0xa7: {  	p0 =	sne.s32 s1, s6  }
0xa8: {  	s6 =	sshll.u32 @p0 s6, $0xE  }
0xa9: {  	s6 =	sadd.s32 @p0 $0x11B8D, s6;
	s7 =	sshll.u32 @p0 s5, $0x11  }
0xaa: {  	s6 =	sor.u32 @p0 s7, s6  }
0xab: {  	[sflag:s6] =	ssyncadd.remote.s32 @p0 $0x1;
	_ =	sdelay $0x1  }
0xac: {  	s6 =	simm.s32 @p0 $0x1B8D  }
0xad: {  	_ =	swait.eq @p0 [sflag:s6], $0x1  }
0xae: {  	[sflag:s6] =	ssyncadd.s32 @p0 $0xFFFFFFFF  }
0xaf: {  	s7 =	sshll.u32 @!p0 s1, $0xE  }
0xb0: {  	s7 =	sor.u32 @!p0 $0x4000, s7;
	s6 =	simm.s32 @!p0 $0x1B8D  }
0xb1: {  	s5 =	sshll.u32 @!p0 s5, $0x11;
	s7 =	sadd.s32 @!p0 $0x11B8D, s7;
	_ =	swait.eq @!p0 [sflag:s6], $0x1  }
0xb2: {  	s5 =	sor.u32 @!p0 s5, s7;
	[sflag:s6] =	ssyncadd.s32 @!p0 $0xFFFFFFFF  }
0xb3: {  	s25 =	simm.s32 $0x1B8E;
	s24 =	sld [smem:$0x3FFE];
	[sflag:s5] =	ssyncadd.remote.s32 @!p0 $0x1  }
0xb4: {  	s26 =	simm.s32 $execute0_lowered;
	[smem:$0x3FD2] =	sst s25  }
0xb5: {  	s6 =	sshll.u32 s26, $0x1;
	_ =	strace $0x80000049;
	[dreg:$0x1] =	wrdreg $0xFFFFFFFF  }
0xb6: {  	s28 =	simm.s32 $_size_execute0_lowered;
	s4 =	sadd.s32 s4, s6;
	[dreg:$0x0] =	wrdreg $0x0  }
0xb7: {  	s6 =	sshll.u32 s28, $0x1;
	[dreg:$0x2] =	wrdreg s4  }
0xb8: {  	[dreg:$0x3] =	wrdreg s6  }
0xb9: {  	[dreg:$0x4] =	wrdreg $0xC0  }
0xba: {  	_ =	task [dreg:s22], $0x5FFFF  }
0xbb: {  	[dreg:$0x1] =	wrdreg $0xFFFFFFFF  }
0xbc: {  	[dreg:$0x0] =	wrdreg $0x60  }
0xbd: {  	[dreg:$0x2] =	wrdreg s18  }
0xbe: {  	[dreg:$0x3] =	wrdreg s24  }
0xbf: {  	[dreg:$0x4] =	wrdreg $0xA  }
0xc0: {  	_ =	task.clear_ibuf [dreg:s22], $0x5FFFF;
	_ =	strace $0x90000049  }
0xc1: {  	s29 =	simm.s32 $0xA;
	_ =	strace $0x8000004B  }
0xc2: {  	_ =	swait.ge [sflag:s29], $0x1  }
0xc3: {  	[sflag:s29] =	ssyncadd.s32 $0xFFFFFFFF  }
0xc4: {  	_ =	strace $0x9000004B  }
0xc5: {  	_ =	sfence  }
0xc6: {  	s30 =	sld [smem:$0x0];
	_ =	sdelay $0x2  }
0xc7: {  	s31 =	sshll.u32 s1, $0xD;
	s1 =	sshrl.u32 s1, $0x2  }
0xc8: {  	s4 =	sand.u32 $0x4000, s31;
	s1 =	sadd.s32 s1, s30  }
0xc9: {  	s0 =	sor.u32 s4, s0;
	s1 =	sshll.u32 s1, $0x11  }
0xca: {  	s0 =	sor.u32 s1, s0  }
0xcb: {  	s0 =	sadd.s32 $0x8F2B, s0  }
0xcc: {  	[sflag:s0] =	ssyncadd.remote.s32 $0x1  }
0xcd: {  	_ =	sfence.sel $0xFFFF  }
0xce: {  	[dreg:$0x0] =	wrdreg $0xFFFFFFFF;
	(pc) =	sbr.abs _section_cstart, $3  }
0xcf: {  	[dreg:$0x1] =	wrdreg $0xFFFFFFFF  }
0xd0: {  	_ =	task.clear_ibuf [dreg:s22], $0x2FFFF;
	_ =	strace $0x9FFFFFFF  }
0xd1: {  	(tm) =	ssettm $0x7FFFFFFF  }
tec
execute0_lowered:
.L_overlay_start_1:
0x0: {  	(tag) =	ssettag $0x1  }
0x1: {  	s1 =	srdreg.scid  }
0x2: {  	s0 =	stileid.u32;
	s6 =	sand.u32 $0x1, s1  }
0x3: {  	s2 =	rddreg [dreg:$0x0];
	s30 =	sshll.u32 s0, $0x9;
	s3 =	sshll.u32 s6, $0x8  }
0x4: {  	s8 =	rddreg [dreg:$0x1];
	s7 =	simm.s32 $0x1;
	s9 =	sor.u32 s3, s30  }
0x5: {  	s1 =	rddreg [dreg:$0x2];
	s3 =	simm.s32 $0x0;
	s4 =	sshrl.u32 s9, $0x3  }
0x6: {  	s10 =	ssub.s32 $0x2, s6;
	[smem:$0x7FF] =	sst s3;
	s4 =	sadd.s32 s4, s8  }
0x7: {  	_ =	strace $0x8000004A;
	s5 =	sadd.s32 $0x3EA00, s4;
	s4 =	simm.s32 $0x2  }
0x8: {  	[tilespmem:s3], [sflag:$0x2] =	stream.linear.gather [hbm4b:s5+s3], $0x100, $0x38;
	[tilespmem:$0x8100] =	vst v63  }
0x9: {  	s6 =	simm.s32 $0x100;
	s11 =	sshrl.u32 s10, $0x1;
	_ =	swait.ge [sflag:s4], $0x100  }
0xa: {  	s9 =	sshll.u32 s9, $0x4;
	s31 =	ssub.s32 s10, s11;
	[sflag:s4] =	ssyncset.done $0x0  }
0xb: {  	s8 =	sadd.s32 s9, s8;
	s9 =	smax.u32 s31, $0x1;
	[sflag:s4] =	ssyncadd.s32 $0xFFFFFF00  }
0xc: {  	[tilespmem:s6], [sflag:$0x1] =	stream.indirect.gather [hbm4b:s2+s6], $0x80, s3, s6, $0xb8;
	[tilespmem:$0x8100] =	vst v63  }
0xd: {  	p0 =	sne.s32 s9, $0x1;
	_ =	swait.ge [sflag:s7], $0x8000  }
.Ltmp0:
0xe: {  	[sflag:s7] =	ssyncset.done $0x0;
	(pc) =	sbr.rel @!p0 .LBB2_2-.Ltmp0, $4  }
0xf: {  	s8 =	sadd.s32 $0x23EE00, s8;
	[sflag:s7] =	ssyncadd.s32 $0xFFFF8000  }
0x10: {  	[hbm4b:s8+s3] =	stream.linear.scatter [tilespmem:s6], [sflag:$0x2], $0x8000, $0x38;
	[tilespmem:$0x8100] =	vst v63  }
0x11: {  	_ =	swait.ge [sflag:s4], $0x8000  }
0x12: {  	s9 =	sadd.s32 $0xFFFFFFFF, s9;
	[sflag:s4] =	ssyncset.done $0x0  }
.LBB2_1:
0x13: {  	p0 =	sne.s32 s9, $0x1;
	s9 =	sadd.s32 $0xFFFFFFFF, s9;
	[sflag:s4] =	ssyncadd.s32 $0xFFFF8000  }
0x14: {  	[tilespmem:s3], [sflag:$0x2] =	stream.linear.gather [hbm4b:s5+s3], $0x100, $0x38;
	[tilespmem:$0x8100] =	vst v63  }
0x15: {  	_ =	swait.ge [sflag:s4], $0x100  }
0x16: {  	[sflag:s4] =	ssyncset.done $0x0  }
0x17: {  	[sflag:s4] =	ssyncadd.s32 $0xFFFFFF00  }
0x18: {  	[tilespmem:s6], [sflag:$0x1] =	stream.indirect.gather [hbm4b:s2+s6], $0x80, s3, s6, $0xb8;
	[tilespmem:$0x8100] =	vst v63  }
0x19: {  	_ =	swait.ge [sflag:s7], $0x8000  }
.Ltmp1:
0x1a: {  	[sflag:s7] =	ssyncset.done $0x0;
	(pc) =	sbr.rel @p0 .LBB2_1-.Ltmp1, $4  }
0x1b: {  	[sflag:s7] =	ssyncadd.s32 $0xFFFF8000  }
0x1c: {  	[hbm4b:s8+s3] =	stream.linear.scatter [tilespmem:s6], [sflag:$0x2], $0x8000, $0x38;
	[tilespmem:$0x8100] =	vst v63  }
0x1d: {  	_ =	swait.ge [sflag:s4], $0x8000  }
0x1e: {  	[sflag:s4] =	ssyncset.done $0x0  }
.LBB2_2:
0x1f: {  	[sflag:s4] =	ssyncadd.s32 $0xFFFF8000  }
0x20: {  	_ =	sfence.sel $0x180000  }
0x21: {  	[bflag:$0x0] =	sbarrier.arrive $0xFFFF  }
0x22: {  	p0 =	sne.s32 s0, $0x0;
	_ =	strace $0x9000004A  }
0x23: {  	s0 =	sadd.s32 @!p0 $0x100000, s1;
	[bflag:$0x2] =	sbarrier.arrive $0xFFFF  }
0x24: {  	[sflag:s0] =	ssyncadd.tile.s32 @!p0 $0x1;
	_ =	shalt  }
.Lfunc_end2:
_tile_overlayer_lowered:
.L_overlay_start_2:
0x25: {  	(tag) =	ssettag $0x2  }
0x26: {  	s0 =	rddreg [dreg:$0x0];
	s2 =	stileid.u32  }
0x27: {  	s1 =	rddreg [dreg:$0x1];
	p0 =	sne.s32 s2, $0x0  }
0x28: {  	s3 =	rddreg [dreg:$0x2];
	[bflag:$0x3] =	sbarrier.arrive $0xFFFF;
	s2 =	simm.s32 @!p0 $0x1C02  }
0x29: {  	[timem:s3], [sflag:s2] =	dma.local @!p0 [hbm:s0], s1  }
0x2a: {  	s0 =	simm.s32 @!p0 $0x2  }
0x2b: {  	_ =	swait.ge @!p0 [sflag:s0], s1  }
0x2c: {  	s1 =	ssub.s32 @!p0 $0x0, s1;
	[sflag:s0] =	ssyncset.done @!p0 $0x0  }
0x2d: {  	[sflag:s0] =	ssyncadd.s32 @!p0 s1  }
0x2e: {  	[bflag:$0x3] =	sbarrier.arrive $0xFFFF  }
0x2f: {  	_ =	shalt  }

// kernel: kernel.7.cloned.1.call-start
scs
__scs_entry_jumppad:
0x0: {  	(pc) =	sbr.rel $0x88, $3  }
0x1: {  	(tag) =	ssettag $0x0;
	lr =	simm.s32 $0x1  }
0x2: {  	[smem:$0x3F9D] =	sst lr;
	_ =	strace $0xD0000000  }
0x3: {  	_ = 	snop  }
0x4: {  	_ = 	snop  }
0x5: {  	_ = 	snop  }
0x6: {  	_ = 	snop  }
0x7: {  	_ = 	snop  }
__scs_overlays_trampoline_lowered:
0x8: {  	[smem:$0x3FAC] =	sst s0  }
0x9: {  	[smem:$0x3FAD] =	sst s1  }
0xa: {  	[smem:$0x3FAE] =	sst s2  }
0xb: {  	[smem:$0x3FAF] =	sst s3  }
0xc: {  	[smem:$0x3FB0] =	sst s4  }
0xd: {  	[smem:$0x3FB1] =	sst s5  }
0xe: {  	[smem:$0x3FB2] =	sst s6  }
0xf: {  	[smem:$0x3FB3] =	sst s7  }
0x10: {  	[smem:$0x3FB4] =	sst s8  }
0x11: {  	[smem:$0x3FB5] =	sst s9;
	s0 =	simm.s32 @!p0 $0x0  }
0x12: {  	s1 =	sld [smem:$0x3F9B];
	s0 =	simm.s32 @p0 $0x1  }
0x13: {  	[smem:$0x3FB6] =	sst s0;
	s0 =	simm.s32 @!p1 $0x0  }
0x14: {  	s2 =	sld [smem:$0x3F9A];
	s0 =	simm.s32 @p1 $0x1  }
0x15: {  	[smem:$0x3FB7] =	sst s0;
	s0 =	simm.s32 @!p2 $0x0  }
0x16: {  	s3 =	sld [smem:$0x3FDB];
	s0 =	simm.s32 @p2 $0x1  }
0x17: {  	s4 =	simm.s32 $0x1BF5;
	[smem:$0x3FB9] =	sst s0  }
0x18: {  	s0 =	sld [smem:$0x3F9C];
	_ =	swait.ge [sflag:s4], $0x0  }
0x19: {  	s7 =	sld [smem:$0x3F9D]  }
0x1a: {  	s8 =	sadd.s32 $0xFFFFE003, lr  }
0x1b: {  	s9 =	sadd.s32 $0xFFFFFEF7, lr;
	s5 =	simm.s32 $0xFFFFFFFF;
	p2 =	slt.u32 s8, $0xFFFFF086  }
0x1c: {  	p1 =	slt.u32 s9, $0xF7A;
	s5 =	simm.s32 @!p2 $0x0  }
0x1d: {  	s5 =	simm.s32 @p1 $0x1;
	p0 =	seq.s32 s7, s2  }
0x1e: {  	s7 =	smul.u32 @!p0 $0xF7A, s2;
	p2 =	seq.s32 @!p0 s5, $0x0  }
0x1f: {  	s9 =	smul.u32 $0xF7A, s1;
	s8 =	simm.s32 @!p0 $0x1BF5;
	p2 =	por !p2, p0  }
0x20: {  	[sflag:s8] =	ssyncset.s32 @!p0 $0xFFFFF086;
	s6 =	sadd.s32 @!p0 s3, s7;
	s7 =	simm.s32 @!p0 $0x108  }
0x21: {  	s3 =	sadd.s32 s3, s9;
	s6 =	sadd.s32 @!p0 $0x88, s6;
	s7 =	simm.s32 @p2 $0x1082  }
0x22: {  	[simem:s7], [sflag:s8] =	dma.local @!p0 [hbm:s6], $0xF7A  }
0x23: {  	s9 =	sor.u32 $0xD0000000, s2;
	s6 =	simm.s32 $0x108;
	_ =	swait.ge @!p0 [sflag:s8], $0x0  }
0x24: {  	s3 =	sadd.s32 $0x88, s3;
	s6 =	simm.s32 @!p1 $0x1082;
	[sflag:s4] =	ssyncset.s32 $0xFFFFF086  }
0x25: {  	[simem:s6], [sflag:s4] =	dma.local [hbm:s3], $0xF7A  }
0x26: {  	[smem:$0x3F9D] =	sst s1;
	(tag) =	ssettag s2;
	_ =	strace s9  }
0x27: {  	s1 =	sld [smem:$0x3FAD]  }
0x28: {  	s2 =	sld [smem:$0x3FAE]  }
0x29: {  	s4 =	sld [smem:$0x3FB0]  }
0x2a: {  	p0 =	seq.s32 s5, $0x0;
	s5 =	sld [smem:$0x3FB1]  }
0x2b: {  	s6 =	sld [smem:$0x3FB2]  }
0x2c: {  	s7 =	sld [smem:$0x3FB3]  }
0x2d: {  	s3 =	simm.s32 $0x108;
	s8 =	sld [smem:$0x3FB4]  }
0x2e: {  	s3 =	simm.s32 @!p0 $0x1082;
	s9 =	sld [smem:$0x3FB5]  }
0x2f: {  	lr =	sadd.s32 s0, s3;
	s0 =	sld [smem:$0x3FAC]  }
0x30: {  	s3 =	sld [smem:$0x3FAF]  }
0x31: {  	[smem:$0x3FB8] =	sst s10  }
0x32: {  	s10 =	sld [smem:$0x3FB6];
	_ =	sdelay $0x3  }
0x33: {  	p0 =	seq.s32 s10, $0x1;
	s10 =	sld [smem:$0x3FB8];
	_ =	sdelay $0x3  }
0x34: {  	[smem:$0x3FB8] =	sst s10  }
0x35: {  	s10 =	sld [smem:$0x3FB7];
	_ =	sdelay $0x3  }
0x36: {  	p1 =	seq.s32 s10, $0x1;
	s10 =	sld [smem:$0x3FB8];
	_ =	sdelay $0x3  }
0x37: {  	[smem:$0x3FB8] =	sst s10  }
0x38: {  	s10 =	sld [smem:$0x3FB9]  }
0x39: {  	_ = 	snop;
	(pc) =	sbr.ind lr, $3  }
0x3a: {  	_ = 	snop  }
0x3b: {  	_ = 	snop  }
0x3c: {  	p2 =	seq.s32 s10, $0x1;
	s10 =	sld [smem:$0x3FB8]  }
0x3d: {  	_ =	shalt  }
0x3e: {  	_ =	shalt  }
0x3f: {  	_ =	shalt  }
0x40: {  	_ =	shalt  }
0x41: {  	_ =	shalt  }
0x42: {  	_ =	shalt  }
0x43: {  	_ =	shalt  }
0x44: {  	_ =	shalt  }
0x45: {  	_ =	shalt  }
0x46: {  	_ =	shalt  }
0x47: {  	_ =	shalt  }
0x48: {  	_ =	shalt  }
0x49: {  	_ =	shalt  }
0x4a: {  	_ =	shalt  }
0x4b: {  	_ =	shalt  }
0x4c: {  	_ =	shalt  }
0x4d: {  	_ =	shalt  }
0x4e: {  	_ =	shalt  }
0x4f: {  	_ =	shalt  }
0x50: {  	_ =	shalt  }
0x51: {  	_ =	shalt  }
0x52: {  	_ =	shalt  }
0x53: {  	_ =	shalt  }
0x54: {  	_ =	shalt  }
0x55: {  	_ =	shalt  }
0x56: {  	_ =	shalt  }
0x57: {  	_ =	shalt  }
0x58: {  	_ =	shalt  }
0x59: {  	_ =	shalt  }
0x5a: {  	_ =	shalt  }
0x5b: {  	_ =	shalt  }
0x5c: {  	_ =	shalt  }
0x5d: {  	_ =	shalt  }
0x5e: {  	_ =	shalt  }
0x5f: {  	_ =	shalt  }
0x60: {  	_ =	shalt  }
0x61: {  	_ =	shalt  }
0x62: {  	_ =	shalt  }
0x63: {  	_ =	shalt  }
0x64: {  	_ =	shalt  }
0x65: {  	_ =	shalt  }
0x66: {  	_ =	shalt  }
0x67: {  	_ =	shalt  }
0x68: {  	_ =	shalt  }
0x69: {  	_ =	shalt  }
0x6a: {  	_ =	shalt  }
0x6b: {  	_ =	shalt  }
0x6c: {  	_ =	shalt  }
0x6d: {  	_ =	shalt  }
0x6e: {  	_ =	shalt  }
0x6f: {  	_ =	shalt  }
0x70: {  	_ =	shalt  }
0x71: {  	_ =	shalt  }
0x72: {  	_ =	shalt  }
0x73: {  	_ =	shalt  }
0x74: {  	_ =	shalt  }
0x75: {  	_ =	shalt  }
0x76: {  	_ =	shalt  }
0x77: {  	_ =	shalt  }
0x78: {  	_ =	shalt  }
0x79: {  	_ =	shalt  }
0x7a: {  	_ =	shalt  }
0x7b: {  	_ =	shalt  }
0x7c: {  	_ =	shalt  }
0x7d: {  	_ =	shalt  }
0x7e: {  	_ =	shalt  }
0x7f: {  	_ =	shalt  }
0x80: {  	_ =	shalt  }
0x81: {  	_ =	shalt  }
0x82: {  	_ =	shalt  }
0x83: {  	_ =	shalt  }
0x84: {  	_ =	shalt  }
0x85: {  	_ =	shalt  }
0x86: {  	_ =	shalt  }
0x87: {  	_ =	shalt  }
.Lfunc_end0:
.L_simem_size_0:
called_computation_lowered:
.L_overlay_start_0:
0x88: {  	s2 =	sld [smem:$0x3FD9]  }
0x89: {  	s3 =	sld [smem:$0x3FFE];
	_ =	sdelay $0x1  }
0x8a: {  	s1 =	srdreg.scid  }
0x8b: {  	s0 =	sand.u32 $0x1, s1  }
0x8c: {  	s16 =	sshll.u32 s0, $0xA;
	s2 =	sadd.s32 s3, s2  }
0x8d: {  	s2 =	sadd.s32 s2, s16  }
0x8e: {  	[smem:$0x3FC4] =	sst s2  }
0x8f: {  	_ = 	snop  }
0x90: {  	(tm) =	ssettm $0x1  }
0x91: {  	s17 =	sld [smem:$0x3FFB];
	_ =	sdelay $0x3  }
0x92: {  	_ =	strace s17  }
0x93: {  	s2 =	sld [smem:$0x3FFC];
	_ =	sdelay $0x3  }
0x94: {  	_ =	strace s2  }
0x95: {  	s2 =	sld [smem:$0x3FFD];
	_ =	sdelay $0x3  }
0x96: {  	_ =	strace s2  }
0x97: {  	_ =	strace $0x8FFFFFFF  }
0x98: {  	s18 =	sld [smem:$0x3FDB];
	_ =	sdelay $0x1  }
0x99: {  	s19 =	simm.s32 $_scs_section_size  }
0x9a: {  	s4 =	simm.s32 $_size__tile_overlayer_lowered;
	s5 =	simm.s32 $_tile_overlayer_lowered  }
0x9b: {  	s22 =	simm.s32 $0x1BFF;
	s21 =	sshll.u32 s5, $0x1;
	s2 =	sadd.s32 s19, s18  }
0x9c: {  	s6 =	simm.s32 $0x0;
	s20 =	sshll.u32 s4, $0x1;
	s4 =	sadd.s32 s21, s2  }
0x9d: {  	[timem:s6], [sflag:s22] =	dma.local [hbm:s4], s20  }
0x9e: {  	_ =	swait.ge [sflag:s22], s20  }
0x9f: {  	s3 =	ssub.s32 $0x0, s20;
	[sflag:s22] =	ssyncset.done $0x0  }
0xa0: {  	[sflag:s22] =	ssyncadd.s32 s3;
	_ =	sdelay $0x1  }
0xa1: {  	s23 =	simm.s32 $0x1B8B  }
0xa2: {  	_ =	swait.ge [sflag:s23], $0x1  }
0xa3: {  	[sflag:s23] =	ssyncset.done $0x0  }
0xa4: {  	s25 =	simm.s32 $0x1B8E;
	s24 =	sld [smem:$0x3FFE];
	[sflag:s23] =	ssyncadd.s32 $0xFFFFFFFF  }
0xa5: {  	s26 =	simm.s32 $execute0_lowered;
	[smem:$0x3FD2] =	sst s25  }
0xa6: {  	s4 =	sshll.u32 s26, $0x1;
	_ =	strace $0x80000046;
	[dreg:$0x1] =	wrdreg $0xFFFFFFFF  }
0xa7: {  	s28 =	simm.s32 $_size_execute0_lowered;
	s2 =	sadd.s32 s2, s4;
	[dreg:$0x0] =	wrdreg $0x0  }
0xa8: {  	s4 =	sshll.u32 s28, $0x1;
	[dreg:$0x2] =	wrdreg s2  }
0xa9: {  	[dreg:$0x3] =	wrdreg s4  }
0xaa: {  	[dreg:$0x4] =	wrdreg $0xC0  }
0xab: {  	_ =	task [dreg:s6], $0x5FFFF  }
0xac: {  	[dreg:$0x1] =	wrdreg $0xFFFFFFFF  }
0xad: {  	[dreg:$0x0] =	wrdreg $0x60  }
0xae: {  	[dreg:$0x2] =	wrdreg s24  }
0xaf: {  	[dreg:$0x3] =	wrdreg $0x9  }
0xb0: {  	_ =	task.clear_ibuf [dreg:s6], $0x4FFFF;
	_ =	strace $0x90000046  }
0xb1: {  	s29 =	simm.s32 $0x9;
	_ =	strace $0x80000048  }
0xb2: {  	_ =	swait.ge [sflag:s29], $0x1  }
0xb3: {  	[sflag:s29] =	ssyncadd.s32 $0xFFFFFFFF  }
0xb4: {  	_ =	strace $0x90000048  }
0xb5: {  	_ =	sfence  }
0xb6: {  	s30 =	sld [smem:$0x0];
	_ =	sdelay $0x2  }
0xb7: {  	s31 =	sshll.u32 s1, $0xD;
	s1 =	sshrl.u32 s1, $0x2  }
0xb8: {  	s3 =	sand.u32 $0x4000, s31;
	s1 =	sadd.s32 s1, s30  }
0xb9: {  	s0 =	sor.u32 s3, s0;
	s1 =	sshll.u32 s1, $0x11  }
0xba: {  	s0 =	sor.u32 s1, s0  }
0xbb: {  	s0 =	sadd.s32 $0x8F2B, s0  }
0xbc: {  	[sflag:s0] =	ssyncadd.remote.s32 $0x1  }
0xbd: {  	_ =	sfence.sel $0xFFFF  }
0xbe: {  	[dreg:$0x0] =	wrdreg $0xFFFFFFFF;
	(pc) =	sbr.abs _section_cstart, $3  }
0xbf: {  	[dreg:$0x1] =	wrdreg $0xFFFFFFFF  }
0xc0: {  	_ =	task.clear_ibuf [dreg:s6], $0x2FFFF;
	_ =	strace $0x9FFFFFFF  }
0xc1: {  	(tm) =	ssettm $0x7FFFFFFF  }
tec
execute0_lowered:
.L_overlay_start_1:
0x0: {  	(tag) =	ssettag $0x1  }
0x1: {  	s0 =	srdreg.scid  }
0x2: {  	s1 =	stileid.u32;
	s3 =	rddreg [dreg:$0x0]  }
0x3: {  	s31 =	simm.s32 $0x5;
	s9 =	simm.s32 $0x10;
	s10 =	simm.s32 $0x100  }
0x4: {  	s13 =	simm.s32 $0x1;
	s8 =	simm.s32 $0x8100;
	s0 =	sand.u32 $0x1, s0  }
0x5: {  	s11 =	simm.s32 $0x2;
	s1 =	sshll.u32 s1, $0x9;
	s2 =	sshll.u32 s0, $0x8  }
0x6: {  	s7 =	simm.s32 $0x3;
	s30 =	simm.s32 $0x20;
	s1 =	sor.u32 s2, s1  }
0x7: {  	s6 =	simm.s32 $0x4;
	s29 =	simm.s32 $0x30;
	s4 =	sshrl.u32 s1, $0x3  }
0x8: {  	s2 =	simm.s32 $0x0;
	s1 =	sshll.u32 s1, $0x8;
	s4 =	sadd.s32 s4, s3  }
0x9: {  	[smem:$0x7FF] =	sst s2;
	s1 =	sadd.s32 s1, s3;
	s4 =	sadd.s32 $0x3EA00, s4  }
0xa: {  	_ =	strace $0x80000047;
	s16 =	sadd.s32 $0x3EE00, s1;
	[dreg:$0x2] =	wrdreg s4  }
0xb: {  	s28 =	simm.s32 $0x40;
	s17 =	sadd.s32 $0x3FE00, s1;
	[dreg:$0x3] =	wrdreg s16  }
0xc: {  	p0 =	por $0x0, $0x0;
	s18 =	sadd.s32 $0x40E00, s1;
	[dreg:$0x4] =	wrdreg s17  }
0xd: {  	s0 =	ssub.s32 $0x2, s0;
	s19 =	sadd.s32 $0x41E00, s1;
	[dreg:$0x5] =	wrdreg s18  }
0xe: {  	s5 =	sshrl.u32 s0, $0x1;
	s20 =	sadd.s32 $0x42E00, s1;
	[dreg:$0x6] =	wrdreg s19  }
0xf: {  	s0 =	ssub.s32 s0, s5;
	s21 =	sadd.s32 $0x43E00, s1;
	[dreg:$0x7] =	wrdreg s20  }
0x10: {  	s3 =	sadd.s32 $0x200, s3;
	s22 =	sadd.s32 $0x44E00, s1;
	[dreg:$0x8] =	wrdreg s21  }
0x11: {  	s0 =	smax.u32 s0, $0x1;
	s23 =	sadd.s32 $0x45E00, s1;
	[dreg:$0x9] =	wrdreg s22  }
0x12: {  	s24 =	sadd.s32 $0x46E00, s1;
	s25 =	sadd.s32 $0x47E00, s1;
	[dreg:$0xa] =	wrdreg s23  }
0x13: {  	s26 =	sadd.s32 $0x48E00, s1;
	s15 =	sadd.s32 $0x49E00, s1;
	[dreg:$0xb] =	wrdreg s24  }
0x14: {  	s14 =	sadd.s32 $0x4AE00, s1;
	s12 =	sadd.s32 $0x4BE00, s1;
	[dreg:$0xc] =	wrdreg s25  }
0x15: {  	s5 =	sadd.s32 $0x4CE00, s1;
	p1 =	sne.s32 s0, $0x1;
	[dreg:$0xd] =	wrdreg s26  }
.Ltmp0:
0x16: {  	s4 =	sadd.s32 $0x4DE00, s1;
	s26 =	simm.s32 $0x50;
	(pc) =	sbr.rel @!p1 .LBB2_3-.Ltmp0, $4  }
0x17: {  	s25 =	simm.s32 $0x60;
	s24 =	simm.s32 $0x70;
	s23 =	simm.s32 $0x80  }
0x18: {  	s22 =	simm.s32 $0x90;
	s1 =	sadd.s32 $0xFFFFFFFF, s0;
	s21 =	simm.s32 $0xA0  }
0x19: {  	s20 =	simm.s32 $0xB0;
	s19 =	simm.s32 $0xC0;
	s18 =	simm.s32 $0xD0  }
0x1a: {  	s17 =	simm.s32 $0xE0;
	s16 =	simm.s32 $0xF0;
	s0 =	rddreg [dreg:$0x2]  }
0x1b: {  	[tilespmem:s2], [sflag:$0x5] =	stream.linear.gather [hbm4b:s0+s2], $0x100, $0x38;
	[tilespmem:$0x10100] =	vst v63  }
0x1c: {  	_ =	swait.ge [sflag:s31], $0x100  }
0x1d: {  	[sflag:s31] =	ssyncset.done $0x0  }
0x1e: {  	[sflag:s31] =	ssyncadd.s32 $0xFFFFFF00  }
0x1f: {  	[tilespmem:s10], [sflag:$0x1] =	stream.indirect.gather [hbm4b:s3+s9], $0x800, s2, s9, $0xb8;
	[tilespmem:$0x10100] =	vst v63  }
0x20: {  	_ =	swait.ge [sflag:s13], $0x8000  }
0x21: {  	[sflag:s13] =	ssyncset.done $0x0  }
0x22: {  	[sflag:s13] =	ssyncadd.s32 $0xFFFF8000  }
0x23: {  	[tilespmem:s8], [sflag:$0x2] =	stream.indirect.gather [hbm4b:s3+s9], $0x800, s9, s9, $0xb8;
	[tilespmem:$0x10100] =	vst v63  }
0x24: {  	s0 =	rddreg [dreg:$0x3]  }
0x25: {  	[hbm4b:s0+s2] =	stream.linear.scatter [tilespmem:s10], [sflag:$0x3], $0x8000, $0x38;
	[tilespmem:$0x10100] =	vst v63  }
0x26: {  	_ =	swait.ge [sflag:s11], $0x8000  }
0x27: {  	[sflag:s11] =	ssyncset.done $0x0  }
0x28: {  	[sflag:s11] =	ssyncadd.s32 $0xFFFF8000  }
0x29: {  	_ =	swait.ge [sflag:s7], $0x8000  }
0x2a: {  	[sflag:s7] =	ssyncset.done $0x0  }
0x2b: {  	[sflag:s7] =	ssyncadd.s32 $0xFFFF8000  }
0x2c: {  	[tilespmem:s10], [sflag:$0x1] =	stream.indirect.gather [hbm4b:s3+s9], $0x800, s30, s9, $0xb8;
	[tilespmem:$0x10100] =	vst v63  }
0x2d: {  	s0 =	rddreg [dreg:$0x4]  }
0x2e: {  	[hbm4b:s0+s2] =	stream.linear.scatter [tilespmem:s8], [sflag:$0x4], $0x8000, $0x38;
	[tilespmem:$0x10100] =	vst v63  }
0x2f: {  	_ =	swait.ge [sflag:s13], $0x8000  }
0x30: {  	[sflag:s13] =	ssyncset.done $0x0  }
0x31: {  	[sflag:s13] =	ssyncadd.s32 $0xFFFF8000  }
0x32: {  	_ =	swait.ge [sflag:s6], $0x8000  }
0x33: {  	[sflag:s6] =	ssyncset.done $0x0  }
0x34: {  	[sflag:s6] =	ssyncadd.s32 $0xFFFF8000  }
0x35: {  	[tilespmem:s8], [sflag:$0x2] =	stream.indirect.gather [hbm4b:s3+s9], $0x800, s29, s9, $0xb8;
	[tilespmem:$0x10100] =	vst v63  }
0x36: {  	s0 =	rddreg [dreg:$0x5]  }
0x37: {  	[hbm4b:s0+s2] =	stream.linear.scatter [tilespmem:s10], [sflag:$0x3], $0x8000, $0x38;
	[tilespmem:$0x10100] =	vst v63  }
0x38: {  	_ =	swait.ge [sflag:s11], $0x8000  }
0x39: {  	[sflag:s11] =	ssyncset.done $0x0  }
0x3a: {  	[sflag:s11] =	ssyncadd.s32 $0xFFFF8000  }
0x3b: {  	_ =	swait.ge [sflag:s7], $0x8000  }
0x3c: {  	[sflag:s7] =	ssyncset.done $0x0  }
0x3d: {  	[sflag:s7] =	ssyncadd.s32 $0xFFFF8000  }
0x3e: {  	[tilespmem:s10], [sflag:$0x1] =	stream.indirect.gather [hbm4b:s3+s9], $0x800, s28, s9, $0xb8;
	[tilespmem:$0x10100] =	vst v63  }
0x3f: {  	s0 =	rddreg [dreg:$0x6]  }
0x40: {  	[hbm4b:s0+s2] =	stream.linear.scatter [tilespmem:s8], [sflag:$0x4], $0x8000, $0x38;
	[tilespmem:$0x10100] =	vst v63  }
0x41: {  	_ =	swait.ge [sflag:s13], $0x8000  }
0x42: {  	[sflag:s13] =	ssyncset.done $0x0  }
0x43: {  	[sflag:s13] =	ssyncadd.s32 $0xFFFF8000  }
0x44: {  	_ =	swait.ge [sflag:s6], $0x8000  }
0x45: {  	[sflag:s6] =	ssyncset.done $0x0  }
0x46: {  	[sflag:s6] =	ssyncadd.s32 $0xFFFF8000  }
0x47: {  	[tilespmem:s8], [sflag:$0x2] =	stream.indirect.gather [hbm4b:s3+s9], $0x800, s26, s9, $0xb8;
	[tilespmem:$0x10100] =	vst v63  }
0x48: {  	s0 =	rddreg [dreg:$0x7]  }
0x49: {  	[hbm4b:s0+s2] =	stream.linear.scatter [tilespmem:s10], [sflag:$0x3], $0x8000, $0x38;
	[tilespmem:$0x10100] =	vst v63  }
0x4a: {  	_ =	swait.ge [sflag:s11], $0x8000  }
0x4b: {  	[sflag:s11] =	ssyncset.done $0x0  }
0x4c: {  	[sflag:s11] =	ssyncadd.s32 $0xFFFF8000  }
0x4d: {  	_ =	swait.ge [sflag:s7], $0x8000  }
0x4e: {  	[sflag:s7] =	ssyncset.done $0x0  }
0x4f: {  	[sflag:s7] =	ssyncadd.s32 $0xFFFF8000  }
0x50: {  	[tilespmem:s10], [sflag:$0x1] =	stream.indirect.gather [hbm4b:s3+s9], $0x800, s25, s9, $0xb8;
	[tilespmem:$0x10100] =	vst v63  }
0x51: {  	s0 =	rddreg [dreg:$0x8]  }
0x52: {  	[hbm4b:s0+s2] =	stream.linear.scatter [tilespmem:s8], [sflag:$0x4], $0x8000, $0x38;
	[tilespmem:$0x10100] =	vst v63  }
0x53: {  	_ =	swait.ge [sflag:s13], $0x8000  }
0x54: {  	[sflag:s13] =	ssyncset.done $0x0  }
0x55: {  	[sflag:s13] =	ssyncadd.s32 $0xFFFF8000  }
0x56: {  	_ =	swait.ge [sflag:s6], $0x8000  }
0x57: {  	[sflag:s6] =	ssyncset.done $0x0  }
0x58: {  	[sflag:s6] =	ssyncadd.s32 $0xFFFF8000  }
0x59: {  	[tilespmem:s8], [sflag:$0x2] =	stream.indirect.gather [hbm4b:s3+s9], $0x800, s24, s9, $0xb8;
	[tilespmem:$0x10100] =	vst v63  }
0x5a: {  	s0 =	rddreg [dreg:$0x9]  }
0x5b: {  	[hbm4b:s0+s2] =	stream.linear.scatter [tilespmem:s10], [sflag:$0x3], $0x8000, $0x38;
	[tilespmem:$0x10100] =	vst v63  }
0x5c: {  	_ =	swait.ge [sflag:s11], $0x8000  }
0x5d: {  	[sflag:s11] =	ssyncset.done $0x0  }
0x5e: {  	[sflag:s11] =	ssyncadd.s32 $0xFFFF8000  }
0x5f: {  	_ =	swait.ge [sflag:s7], $0x8000  }
0x60: {  	[sflag:s7] =	ssyncset.done $0x0  }
0x61: {  	[sflag:s7] =	ssyncadd.s32 $0xFFFF8000  }
0x62: {  	[tilespmem:s10], [sflag:$0x1] =	stream.indirect.gather [hbm4b:s3+s9], $0x800, s23, s9, $0xb8;
	[tilespmem:$0x10100] =	vst v63  }
0x63: {  	s0 =	rddreg [dreg:$0xa]  }
0x64: {  	[hbm4b:s0+s2] =	stream.linear.scatter [tilespmem:s8], [sflag:$0x4], $0x8000, $0x38;
	[tilespmem:$0x10100] =	vst v63  }
0x65: {  	_ =	swait.ge [sflag:s13], $0x8000  }
0x66: {  	[sflag:s13] =	ssyncset.done $0x0  }
0x67: {  	[sflag:s13] =	ssyncadd.s32 $0xFFFF8000  }
0x68: {  	_ =	swait.ge [sflag:s6], $0x8000  }
0x69: {  	[sflag:s6] =	ssyncset.done $0x0  }
0x6a: {  	[sflag:s6] =	ssyncadd.s32 $0xFFFF8000  }
0x6b: {  	[tilespmem:s8], [sflag:$0x2] =	stream.indirect.gather [hbm4b:s3+s9], $0x800, s22, s9, $0xb8;
	[tilespmem:$0x10100] =	vst v63  }
0x6c: {  	s0 =	rddreg [dreg:$0xb]  }
0x6d: {  	[hbm4b:s0+s2] =	stream.linear.scatter [tilespmem:s10], [sflag:$0x3], $0x8000, $0x38;
	[tilespmem:$0x10100] =	vst v63  }
0x6e: {  	_ =	swait.ge [sflag:s11], $0x8000  }
0x6f: {  	[sflag:s11] =	ssyncset.done $0x0  }
0x70: {  	[sflag:s11] =	ssyncadd.s32 $0xFFFF8000  }
0x71: {  	_ =	swait.ge [sflag:s7], $0x8000  }
0x72: {  	[sflag:s7] =	ssyncset.done $0x0  }
0x73: {  	[sflag:s7] =	ssyncadd.s32 $0xFFFF8000  }
0x74: {  	[tilespmem:s10], [sflag:$0x1] =	stream.indirect.gather [hbm4b:s3+s9], $0x800, s21, s9, $0xb8;
	[tilespmem:$0x10100] =	vst v63  }
0x75: {  	s0 =	rddreg [dreg:$0xc]  }
0x76: {  	[hbm4b:s0+s2] =	stream.linear.scatter [tilespmem:s8], [sflag:$0x4], $0x8000, $0x38;
	[tilespmem:$0x10100] =	vst v63  }
0x77: {  	_ =	swait.ge [sflag:s13], $0x8000  }
0x78: {  	[sflag:s13] =	ssyncset.done $0x0  }
0x79: {  	[sflag:s13] =	ssyncadd.s32 $0xFFFF8000  }
0x7a: {  	_ =	swait.ge [sflag:s6], $0x8000  }
0x7b: {  	[sflag:s6] =	ssyncset.done $0x0  }
0x7c: {  	[sflag:s6] =	ssyncadd.s32 $0xFFFF8000  }
0x7d: {  	[tilespmem:s8], [sflag:$0x2] =	stream.indirect.gather [hbm4b:s3+s9], $0x800, s20, s9, $0xb8;
	[tilespmem:$0x10100] =	vst v63  }
0x7e: {  	s0 =	rddreg [dreg:$0xd]  }
0x7f: {  	[hbm4b:s0+s2] =	stream.linear.scatter [tilespmem:s10], [sflag:$0x3], $0x8000, $0x38;
	[tilespmem:$0x10100] =	vst v63  }
0x80: {  	_ =	swait.ge [sflag:s11], $0x8000  }
0x81: {  	[sflag:s11] =	ssyncset.done $0x0  }
0x82: {  	[sflag:s11] =	ssyncadd.s32 $0xFFFF8000  }
0x83: {  	_ =	swait.ge [sflag:s7], $0x8000  }
0x84: {  	[sflag:s7] =	ssyncset.done $0x0  }
0x85: {  	[sflag:s7] =	ssyncadd.s32 $0xFFFF8000  }
0x86: {  	[tilespmem:s10], [sflag:$0x1] =	stream.indirect.gather [hbm4b:s3+s9], $0x800, s19, s9, $0xb8;
	[tilespmem:$0x10100] =	vst v63  }
0x87: {  	_ = 	snop  }
0x88: {  	[hbm4b:s15+s2] =	stream.linear.scatter [tilespmem:s8], [sflag:$0x4], $0x8000, $0x38;
	[tilespmem:$0x10100] =	vst v63  }
0x89: {  	_ =	swait.ge [sflag:s13], $0x8000  }
0x8a: {  	[sflag:s13] =	ssyncset.done $0x0  }
0x8b: {  	[sflag:s13] =	ssyncadd.s32 $0xFFFF8000  }
0x8c: {  	_ =	swait.ge [sflag:s6], $0x8000  }
0x8d: {  	[sflag:s6] =	ssyncset.done $0x0  }
0x8e: {  	[sflag:s6] =	ssyncadd.s32 $0xFFFF8000  }
0x8f: {  	[tilespmem:s8], [sflag:$0x2] =	stream.indirect.gather [hbm4b:s3+s9], $0x800, s18, s9, $0xb8;
	[tilespmem:$0x10100] =	vst v63  }
0x90: {  	_ = 	snop  }
0x91: {  	[hbm4b:s14+s2] =	stream.linear.scatter [tilespmem:s10], [sflag:$0x3], $0x8000, $0x38;
	[tilespmem:$0x10100] =	vst v63  }
0x92: {  	_ =	swait.ge [sflag:s11], $0x8000  }
0x93: {  	[sflag:s11] =	ssyncset.done $0x0  }
0x94: {  	[sflag:s11] =	ssyncadd.s32 $0xFFFF8000  }
0x95: {  	_ =	swait.ge [sflag:s7], $0x8000  }
0x96: {  	[sflag:s7] =	ssyncset.done $0x0  }
0x97: {  	[sflag:s7] =	ssyncadd.s32 $0xFFFF8000  }
0x98: {  	[tilespmem:s10], [sflag:$0x1] =	stream.indirect.gather [hbm4b:s3+s9], $0x800, s17, s9, $0xb8;
	[tilespmem:$0x10100] =	vst v63  }
0x99: {  	_ = 	snop  }
0x9a: {  	[hbm4b:s12+s2] =	stream.linear.scatter [tilespmem:s8], [sflag:$0x4], $0x8000, $0x38;
	[tilespmem:$0x10100] =	vst v63  }
0x9b: {  	_ =	swait.ge [sflag:s13], $0x8000  }
0x9c: {  	[sflag:s13] =	ssyncset.done $0x0  }
0x9d: {  	[sflag:s13] =	ssyncadd.s32 $0xFFFF8000  }
0x9e: {  	_ =	swait.ge [sflag:s6], $0x8000  }
0x9f: {  	[sflag:s6] =	ssyncset.done $0x0  }
0xa0: {  	[sflag:s6] =	ssyncadd.s32 $0xFFFF8000  }
0xa1: {  	[tilespmem:s8], [sflag:$0x2] =	stream.indirect.gather [hbm4b:s3+s9], $0x800, s16, s9, $0xb8;
	[tilespmem:$0x10100] =	vst v63  }
0xa2: {  	_ = 	snop  }
0xa3: {  	[hbm4b:s5+s2] =	stream.linear.scatter [tilespmem:s10], [sflag:$0x3], $0x8000, $0x38;
	[tilespmem:$0x10100] =	vst v63  }
0xa4: {  	_ =	swait.ge [sflag:s11], $0x8000  }
0xa5: {  	[sflag:s11] =	ssyncset.done $0x0  }
0xa6: {  	p1 =	sne.s32 s1, $0x1;
	[sflag:s11] =	ssyncadd.s32 $0xFFFF8000  }
0xa7: {  	[hbm4b:s4+s2] =	stream.linear.scatter [tilespmem:s8], [sflag:$0x4], $0x8000, $0x38;
	[tilespmem:$0x10100] =	vst v63  }
.Ltmp1:
0xa8: {  	_ =	swait.ge [sflag:s7], $0x8000;
	(pc) =	sbr.rel @!p1 .LBB2_3-.Ltmp1, $4  }
0xa9: {  	[sflag:s7] =	ssyncset.done $0x0  }
0xaa: {  	[sflag:s7] =	ssyncadd.s32 $0xFFFF8000  }
0xab: {  	s1 =	sadd.s32 $0xFFFFFFFF, s1;
	_ =	swait.ge [sflag:s6], $0x8000  }
0xac: {  	p0 =	por $0x1, $0x1;
	s0 =	rddreg [dreg:$0x2];
	[sflag:s6] =	ssyncset.done $0x0  }
.LBB2_2:
0xad: {  	[sflag:s6] =	ssyncadd.s32 $0xFFFF8000  }
0xae: {  	[tilespmem:s2], [sflag:$0x5] =	stream.linear.gather [hbm4b:s0+s2], $0x100, $0x38;
	[tilespmem:$0x10100] =	vst v63  }
0xaf: {  	_ =	swait.ge [sflag:s31], $0x100  }
0xb0: {  	[sflag:s31] =	ssyncset.done $0x0  }
0xb1: {  	[sflag:s31] =	ssyncadd.s32 $0xFFFFFF00  }
0xb2: {  	[tilespmem:s10], [sflag:$0x1] =	stream.indirect.gather [hbm4b:s3+s9], $0x800, s2, s9, $0xb8;
	[tilespmem:$0x10100] =	vst v63  }
0xb3: {  	_ =	swait.ge [sflag:s13], $0x8000  }
0xb4: {  	[sflag:s13] =	ssyncset.done $0x0  }
0xb5: {  	[sflag:s13] =	ssyncadd.s32 $0xFFFF8000  }
0xb6: {  	[tilespmem:s8], [sflag:$0x2] =	stream.indirect.gather [hbm4b:s3+s9], $0x800, s9, s9, $0xb8;
	[tilespmem:$0x10100] =	vst v63  }
0xb7: {  	s0 =	rddreg [dreg:$0x3]  }
0xb8: {  	[hbm4b:s0+s2] =	stream.linear.scatter [tilespmem:s10], [sflag:$0x3], $0x8000, $0x38;
	[tilespmem:$0x10100] =	vst v63  }
0xb9: {  	_ =	swait.ge [sflag:s11], $0x8000  }
0xba: {  	[sflag:s11] =	ssyncset.done $0x0  }
0xbb: {  	[sflag:s11] =	ssyncadd.s32 $0xFFFF8000  }
0xbc: {  	_ =	swait.ge [sflag:s7], $0x8000  }
0xbd: {  	[sflag:s7] =	ssyncset.done $0x0  }
0xbe: {  	[sflag:s7] =	ssyncadd.s32 $0xFFFF8000  }
0xbf: {  	[tilespmem:s10], [sflag:$0x1] =	stream.indirect.gather [hbm4b:s3+s9], $0x800, s30, s9, $0xb8;
	[tilespmem:$0x10100] =	vst v63  }
0xc0: {  	s0 =	rddreg [dreg:$0x4]  }
0xc1: {  	[hbm4b:s0+s2] =	stream.linear.scatter [tilespmem:s8], [sflag:$0x4], $0x8000, $0x38;
	[tilespmem:$0x10100] =	vst v63  }
0xc2: {  	_ =	swait.ge [sflag:s13], $0x8000  }
0xc3: {  	[sflag:s13] =	ssyncset.done $0x0  }
0xc4: {  	[sflag:s13] =	ssyncadd.s32 $0xFFFF8000  }
0xc5: {  	_ =	swait.ge [sflag:s6], $0x8000  }
0xc6: {  	[sflag:s6] =	ssyncset.done $0x0  }
0xc7: {  	[sflag:s6] =	ssyncadd.s32 $0xFFFF8000  }
0xc8: {  	[tilespmem:s8], [sflag:$0x2] =	stream.indirect.gather [hbm4b:s3+s9], $0x800, s29, s9, $0xb8;
	[tilespmem:$0x10100] =	vst v63  }
0xc9: {  	s0 =	rddreg [dreg:$0x5]  }
0xca: {  	[hbm4b:s0+s2] =	stream.linear.scatter [tilespmem:s10], [sflag:$0x3], $0x8000, $0x38;
	[tilespmem:$0x10100] =	vst v63  }
0xcb: {  	_ =	swait.ge [sflag:s11], $0x8000  }
0xcc: {  	[sflag:s11] =	ssyncset.done $0x0  }
0xcd: {  	[sflag:s11] =	ssyncadd.s32 $0xFFFF8000  }
0xce: {  	_ =	swait.ge [sflag:s7], $0x8000  }
0xcf: {  	[sflag:s7] =	ssyncset.done $0x0  }
0xd0: {  	[sflag:s7] =	ssyncadd.s32 $0xFFFF8000  }
0xd1: {  	[tilespmem:s10], [sflag:$0x1] =	stream.indirect.gather [hbm4b:s3+s9], $0x800, s28, s9, $0xb8;
	[tilespmem:$0x10100] =	vst v63  }
0xd2: {  	s0 =	rddreg [dreg:$0x6]  }
0xd3: {  	[hbm4b:s0+s2] =	stream.linear.scatter [tilespmem:s8], [sflag:$0x4], $0x8000, $0x38;
	[tilespmem:$0x10100] =	vst v63  }
0xd4: {  	_ =	swait.ge [sflag:s13], $0x8000  }
0xd5: {  	[sflag:s13] =	ssyncset.done $0x0  }
0xd6: {  	[sflag:s13] =	ssyncadd.s32 $0xFFFF8000  }
0xd7: {  	_ =	swait.ge [sflag:s6], $0x8000  }
0xd8: {  	[sflag:s6] =	ssyncset.done $0x0  }
0xd9: {  	[sflag:s6] =	ssyncadd.s32 $0xFFFF8000  }
0xda: {  	[tilespmem:s8], [sflag:$0x2] =	stream.indirect.gather [hbm4b:s3+s9], $0x800, s26, s9, $0xb8;
	[tilespmem:$0x10100] =	vst v63  }
0xdb: {  	s0 =	rddreg [dreg:$0x7]  }
0xdc: {  	[hbm4b:s0+s2] =	stream.linear.scatter [tilespmem:s10], [sflag:$0x3], $0x8000, $0x38;
	[tilespmem:$0x10100] =	vst v63  }
0xdd: {  	_ =	swait.ge [sflag:s11], $0x8000  }
0xde: {  	[sflag:s11] =	ssyncset.done $0x0  }
0xdf: {  	[sflag:s11] =	ssyncadd.s32 $0xFFFF8000  }
0xe0: {  	_ =	swait.ge [sflag:s7], $0x8000  }
0xe1: {  	[sflag:s7] =	ssyncset.done $0x0  }
0xe2: {  	[sflag:s7] =	ssyncadd.s32 $0xFFFF8000  }
0xe3: {  	[tilespmem:s10], [sflag:$0x1] =	stream.indirect.gather [hbm4b:s3+s9], $0x800, s25, s9, $0xb8;
	[tilespmem:$0x10100] =	vst v63  }
0xe4: {  	s0 =	rddreg [dreg:$0x8]  }
0xe5: {  	[hbm4b:s0+s2] =	stream.linear.scatter [tilespmem:s8], [sflag:$0x4], $0x8000, $0x38;
	[tilespmem:$0x10100] =	vst v63  }
0xe6: {  	_ =	swait.ge [sflag:s13], $0x8000  }
0xe7: {  	[sflag:s13] =	ssyncset.done $0x0  }
0xe8: {  	[sflag:s13] =	ssyncadd.s32 $0xFFFF8000  }
0xe9: {  	_ =	swait.ge [sflag:s6], $0x8000  }
0xea: {  	[sflag:s6] =	ssyncset.done $0x0  }
0xeb: {  	[sflag:s6] =	ssyncadd.s32 $0xFFFF8000  }
0xec: {  	[tilespmem:s8], [sflag:$0x2] =	stream.indirect.gather [hbm4b:s3+s9], $0x800, s24, s9, $0xb8;
	[tilespmem:$0x10100] =	vst v63  }
0xed: {  	s0 =	rddreg [dreg:$0x9]  }
0xee: {  	[hbm4b:s0+s2] =	stream.linear.scatter [tilespmem:s10], [sflag:$0x3], $0x8000, $0x38;
	[tilespmem:$0x10100] =	vst v63  }
0xef: {  	_ =	swait.ge [sflag:s11], $0x8000  }
0xf0: {  	[sflag:s11] =	ssyncset.done $0x0  }
0xf1: {  	[sflag:s11] =	ssyncadd.s32 $0xFFFF8000  }
0xf2: {  	_ =	swait.ge [sflag:s7], $0x8000  }
0xf3: {  	[sflag:s7] =	ssyncset.done $0x0  }
0xf4: {  	[sflag:s7] =	ssyncadd.s32 $0xFFFF8000  }
0xf5: {  	[tilespmem:s10], [sflag:$0x1] =	stream.indirect.gather [hbm4b:s3+s9], $0x800, s23, s9, $0xb8;
	[tilespmem:$0x10100] =	vst v63  }
0xf6: {  	s0 =	rddreg [dreg:$0xa]  }
0xf7: {  	[hbm4b:s0+s2] =	stream.linear.scatter [tilespmem:s8], [sflag:$0x4], $0x8000, $0x38;
	[tilespmem:$0x10100] =	vst v63  }
0xf8: {  	_ =	swait.ge [sflag:s13], $0x8000  }
0xf9: {  	[sflag:s13] =	ssyncset.done $0x0  }
0xfa: {  	[sflag:s13] =	ssyncadd.s32 $0xFFFF8000  }
0xfb: {  	_ =	swait.ge [sflag:s6], $0x8000  }
0xfc: {  	[sflag:s6] =	ssyncset.done $0x0  }
0xfd: {  	[sflag:s6] =	ssyncadd.s32 $0xFFFF8000  }
0xfe: {  	[tilespmem:s8], [sflag:$0x2] =	stream.indirect.gather [hbm4b:s3+s9], $0x800, s22, s9, $0xb8;
	[tilespmem:$0x10100] =	vst v63  }
0xff: {  	s0 =	rddreg [dreg:$0xb]  }
0x100: {  	[hbm4b:s0+s2] =	stream.linear.scatter [tilespmem:s10], [sflag:$0x3], $0x8000, $0x38;
	[tilespmem:$0x10100] =	vst v63  }
0x101: {  	_ =	swait.ge [sflag:s11], $0x8000  }
0x102: {  	[sflag:s11] =	ssyncset.done $0x0  }
0x103: {  	[sflag:s11] =	ssyncadd.s32 $0xFFFF8000  }
0x104: {  	_ =	swait.ge [sflag:s7], $0x8000  }
0x105: {  	[sflag:s7] =	ssyncset.done $0x0  }
0x106: {  	[sflag:s7] =	ssyncadd.s32 $0xFFFF8000  }
0x107: {  	[tilespmem:s10], [sflag:$0x1] =	stream.indirect.gather [hbm4b:s3+s9], $0x800, s21, s9, $0xb8;
	[tilespmem:$0x10100] =	vst v63  }
0x108: {  	s0 =	rddreg [dreg:$0xc]  }
0x109: {  	[hbm4b:s0+s2] =	stream.linear.scatter [tilespmem:s8], [sflag:$0x4], $0x8000, $0x38;
	[tilespmem:$0x10100] =	vst v63  }
0x10a: {  	_ =	swait.ge [sflag:s13], $0x8000  }
0x10b: {  	[sflag:s13] =	ssyncset.done $0x0  }
0x10c: {  	[sflag:s13] =	ssyncadd.s32 $0xFFFF8000  }
0x10d: {  	_ =	swait.ge [sflag:s6], $0x8000  }
0x10e: {  	[sflag:s6] =	ssyncset.done $0x0  }
0x10f: {  	[sflag:s6] =	ssyncadd.s32 $0xFFFF8000  }
0x110: {  	[tilespmem:s8], [sflag:$0x2] =	stream.indirect.gather [hbm4b:s3+s9], $0x800, s20, s9, $0xb8;
	[tilespmem:$0x10100] =	vst v63  }
0x111: {  	s0 =	rddreg [dreg:$0xd]  }
0x112: {  	[hbm4b:s0+s2] =	stream.linear.scatter [tilespmem:s10], [sflag:$0x3], $0x8000, $0x38;
	[tilespmem:$0x10100] =	vst v63  }
0x113: {  	_ =	swait.ge [sflag:s11], $0x8000  }
0x114: {  	[sflag:s11] =	ssyncset.done $0x0  }
0x115: {  	[sflag:s11] =	ssyncadd.s32 $0xFFFF8000  }
0x116: {  	_ =	swait.ge [sflag:s7], $0x8000  }
0x117: {  	[sflag:s7] =	ssyncset.done $0x0  }
0x118: {  	[sflag:s7] =	ssyncadd.s32 $0xFFFF8000  }
0x119: {  	[tilespmem:s10], [sflag:$0x1] =	stream.indirect.gather [hbm4b:s3+s9], $0x800, s19, s9, $0xb8;
	[tilespmem:$0x10100] =	vst v63  }
0x11a: {  	_ = 	snop  }
0x11b: {  	[hbm4b:s15+s2] =	stream.linear.scatter [tilespmem:s8], [sflag:$0x4], $0x8000, $0x38;
	[tilespmem:$0x10100] =	vst v63  }
0x11c: {  	_ =	swait.ge [sflag:s13], $0x8000  }
0x11d: {  	[sflag:s13] =	ssyncset.done $0x0  }
0x11e: {  	[sflag:s13] =	ssyncadd.s32 $0xFFFF8000  }
0x11f: {  	_ =	swait.ge [sflag:s6], $0x8000  }
0x120: {  	[sflag:s6] =	ssyncset.done $0x0  }
0x121: {  	[sflag:s6] =	ssyncadd.s32 $0xFFFF8000  }
0x122: {  	[tilespmem:s8], [sflag:$0x2] =	stream.indirect.gather [hbm4b:s3+s9], $0x800, s18, s9, $0xb8;
	[tilespmem:$0x10100] =	vst v63  }
0x123: {  	_ = 	snop  }
0x124: {  	[hbm4b:s14+s2] =	stream.linear.scatter [tilespmem:s10], [sflag:$0x3], $0x8000, $0x38;
	[tilespmem:$0x10100] =	vst v63  }
0x125: {  	_ =	swait.ge [sflag:s11], $0x8000  }
0x126: {  	[sflag:s11] =	ssyncset.done $0x0  }
0x127: {  	[sflag:s11] =	ssyncadd.s32 $0xFFFF8000  }
0x128: {  	_ =	swait.ge [sflag:s7], $0x8000  }
0x129: {  	[sflag:s7] =	ssyncset.done $0x0  }
0x12a: {  	[sflag:s7] =	ssyncadd.s32 $0xFFFF8000  }
0x12b: {  	[tilespmem:s10], [sflag:$0x1] =	stream.indirect.gather [hbm4b:s3+s9], $0x800, s17, s9, $0xb8;
	[tilespmem:$0x10100] =	vst v63  }
0x12c: {  	_ = 	snop  }
0x12d: {  	[hbm4b:s12+s2] =	stream.linear.scatter [tilespmem:s8], [sflag:$0x4], $0x8000, $0x38;
	[tilespmem:$0x10100] =	vst v63  }
0x12e: {  	_ =	swait.ge [sflag:s13], $0x8000  }
0x12f: {  	[sflag:s13] =	ssyncset.done $0x0  }
0x130: {  	[sflag:s13] =	ssyncadd.s32 $0xFFFF8000  }
0x131: {  	_ =	swait.ge [sflag:s6], $0x8000  }
0x132: {  	[sflag:s6] =	ssyncset.done $0x0  }
0x133: {  	[sflag:s6] =	ssyncadd.s32 $0xFFFF8000  }
0x134: {  	[tilespmem:s8], [sflag:$0x2] =	stream.indirect.gather [hbm4b:s3+s9], $0x800, s16, s9, $0xb8;
	[tilespmem:$0x10100] =	vst v63  }
0x135: {  	_ = 	snop  }
0x136: {  	[hbm4b:s5+s2] =	stream.linear.scatter [tilespmem:s10], [sflag:$0x3], $0x8000, $0x38;
	[tilespmem:$0x10100] =	vst v63  }
0x137: {  	_ =	swait.ge [sflag:s11], $0x8000  }
0x138: {  	[sflag:s11] =	ssyncset.done $0x0  }
0x139: {  	p1 =	sne.s32 s1, $0x1;
	[sflag:s11] =	ssyncadd.s32 $0xFFFF8000  }
0x13a: {  	[hbm4b:s4+s2] =	stream.linear.scatter [tilespmem:s8], [sflag:$0x4], $0x8000, $0x38;
	[tilespmem:$0x10100] =	vst v63  }
.Ltmp2:
0x13b: {  	_ =	swait.ge [sflag:s7], $0x8000;
	(pc) =	sbr.rel @p1 .LBB2_2-.Ltmp2, $4  }
0x13c: {  	[sflag:s7] =	ssyncset.done $0x0  }
0x13d: {  	[sflag:s7] =	ssyncadd.s32 $0xFFFF8000  }
0x13e: {  	_ =	swait.ge [sflag:s6], $0x8000  }
0x13f: {  	s1 =	sadd.s32 $0xFFFFFFFF, s1;
	s0 =	rddreg [dreg:$0x2];
	[sflag:s6] =	ssyncset.done $0x0  }
.LBB2_3:
0x140: {  	[sflag:s6] =	ssyncadd.s32 @p0 $0xFFFF8000  }
0x141: {  	[tilespmem:s2], [sflag:$0x5] =	stream.linear.gather [hbm4b:s0+s2], $0x100, $0x38;
	[tilespmem:$0x10100] =	vst v63  }
0x142: {  	_ =	swait.ge [sflag:s31], $0x100  }
0x143: {  	[sflag:s31] =	ssyncset.done $0x0  }
0x144: {  	[sflag:s31] =	ssyncadd.s32 $0xFFFFFF00  }
0x145: {  	[tilespmem:s10], [sflag:$0x1] =	stream.indirect.gather [hbm4b:s3+s9], $0x800, s2, s9, $0xb8;
	[tilespmem:$0x10100] =	vst v63  }
0x146: {  	_ =	swait.ge [sflag:s13], $0x8000  }
0x147: {  	[sflag:s13] =	ssyncset.done $0x0  }
0x148: {  	[sflag:s13] =	ssyncadd.s32 $0xFFFF8000  }
0x149: {  	[tilespmem:s8], [sflag:$0x2] =	stream.indirect.gather [hbm4b:s3+s9], $0x800, s9, s9, $0xb8;
	[tilespmem:$0x10100] =	vst v63  }
0x14a: {  	s1 =	rddreg [dreg:$0x3]  }
0x14b: {  	[hbm4b:s1+s2] =	stream.linear.scatter [tilespmem:s10], [sflag:$0x3], $0x8000, $0x38;
	[tilespmem:$0x10100] =	vst v63  }
0x14c: {  	_ =	swait.ge [sflag:s11], $0x8000  }
0x14d: {  	[sflag:s11] =	ssyncset.done $0x0  }
0x14e: {  	[sflag:s11] =	ssyncadd.s32 $0xFFFF8000  }
0x14f: {  	_ =	swait.ge [sflag:s7], $0x8000  }
0x150: {  	[sflag:s7] =	ssyncset.done $0x0  }
0x151: {  	[sflag:s7] =	ssyncadd.s32 $0xFFFF8000  }
0x152: {  	[tilespmem:s10], [sflag:$0x1] =	stream.indirect.gather [hbm4b:s3+s9], $0x800, s30, s9, $0xb8;
	[tilespmem:$0x10100] =	vst v63  }
0x153: {  	s31 =	rddreg [dreg:$0x4]  }
0x154: {  	[hbm4b:s31+s2] =	stream.linear.scatter [tilespmem:s8], [sflag:$0x4], $0x8000, $0x38;
	[tilespmem:$0x10100] =	vst v63  }
0x155: {  	_ =	swait.ge [sflag:s13], $0x8000  }
0x156: {  	[sflag:s13] =	ssyncset.done $0x0  }
0x157: {  	[sflag:s13] =	ssyncadd.s32 $0xFFFF8000  }
0x158: {  	_ =	swait.ge [sflag:s6], $0x8000  }
0x159: {  	[sflag:s6] =	ssyncset.done $0x0  }
0x15a: {  	[sflag:s6] =	ssyncadd.s32 $0xFFFF8000  }
0x15b: {  	[tilespmem:s8], [sflag:$0x2] =	stream.indirect.gather [hbm4b:s3+s9], $0x800, s29, s9, $0xb8;
	[tilespmem:$0x10100] =	vst v63  }
0x15c: {  	s1 =	rddreg [dreg:$0x5]  }
0x15d: {  	[hbm4b:s1+s2] =	stream.linear.scatter [tilespmem:s10], [sflag:$0x3], $0x8000, $0x38;
	[tilespmem:$0x10100] =	vst v63  }
0x15e: {  	_ =	swait.ge [sflag:s11], $0x8000  }
0x15f: {  	[sflag:s11] =	ssyncset.done $0x0  }
0x160: {  	[sflag:s11] =	ssyncadd.s32 $0xFFFF8000  }
0x161: {  	_ =	swait.ge [sflag:s7], $0x8000  }
0x162: {  	[sflag:s7] =	ssyncset.done $0x0  }
0x163: {  	[sflag:s7] =	ssyncadd.s32 $0xFFFF8000  }
0x164: {  	[tilespmem:s10], [sflag:$0x1] =	stream.indirect.gather [hbm4b:s3+s9], $0x800, s28, s9, $0xb8;
	[tilespmem:$0x10100] =	vst v63  }
0x165: {  	s30 =	rddreg [dreg:$0x6]  }
0x166: {  	[hbm4b:s30+s2] =	stream.linear.scatter [tilespmem:s8], [sflag:$0x4], $0x8000, $0x38;
	[tilespmem:$0x10100] =	vst v63  }
0x167: {  	_ =	swait.ge [sflag:s13], $0x8000  }
0x168: {  	[sflag:s13] =	ssyncset.done $0x0  }
0x169: {  	[sflag:s13] =	ssyncadd.s32 $0xFFFF8000  }
0x16a: {  	_ =	swait.ge [sflag:s6], $0x8000  }
0x16b: {  	[sflag:s6] =	ssyncset.done $0x0  }
0x16c: {  	[sflag:s6] =	ssyncadd.s32 $0xFFFF8000  }
0x16d: {  	[tilespmem:s8], [sflag:$0x2] =	stream.indirect.gather [hbm4b:s3+s9], $0x800, s26, s9, $0xb8;
	[tilespmem:$0x10100] =	vst v63  }
0x16e: {  	s31 =	rddreg [dreg:$0x7]  }
0x16f: {  	[hbm4b:s31+s2] =	stream.linear.scatter [tilespmem:s10], [sflag:$0x3], $0x8000, $0x38;
	[tilespmem:$0x10100] =	vst v63  }
0x170: {  	_ =	swait.ge [sflag:s11], $0x8000  }
0x171: {  	[sflag:s11] =	ssyncset.done $0x0  }
0x172: {  	[sflag:s11] =	ssyncadd.s32 $0xFFFF8000  }
0x173: {  	_ =	swait.ge [sflag:s7], $0x8000  }
0x174: {  	[sflag:s7] =	ssyncset.done $0x0  }
0x175: {  	[sflag:s7] =	ssyncadd.s32 $0xFFFF8000  }
0x176: {  	[tilespmem:s10], [sflag:$0x1] =	stream.indirect.gather [hbm4b:s3+s9], $0x800, s25, s9, $0xb8;
	[tilespmem:$0x10100] =	vst v63  }
0x177: {  	s1 =	rddreg [dreg:$0x8]  }
0x178: {  	[hbm4b:s1+s2] =	stream.linear.scatter [tilespmem:s8], [sflag:$0x4], $0x8000, $0x38;
	[tilespmem:$0x10100] =	vst v63  }
0x179: {  	_ =	swait.ge [sflag:s13], $0x8000  }
0x17a: {  	[sflag:s13] =	ssyncset.done $0x0  }
0x17b: {  	[sflag:s13] =	ssyncadd.s32 $0xFFFF8000  }
0x17c: {  	_ =	swait.ge [sflag:s6], $0x8000  }
0x17d: {  	[sflag:s6] =	ssyncset.done $0x0  }
0x17e: {  	[sflag:s6] =	ssyncadd.s32 $0xFFFF8000  }
0x17f: {  	[tilespmem:s8], [sflag:$0x2] =	stream.indirect.gather [hbm4b:s3+s9], $0x800, s24, s9, $0xb8;
	[tilespmem:$0x10100] =	vst v63  }
0x180: {  	s25 =	rddreg [dreg:$0x9]  }
0x181: {  	[hbm4b:s25+s2] =	stream.linear.scatter [tilespmem:s10], [sflag:$0x3], $0x8000, $0x38;
	[tilespmem:$0x10100] =	vst v63  }
0x182: {  	_ =	swait.ge [sflag:s11], $0x8000  }
0x183: {  	[sflag:s11] =	ssyncset.done $0x0  }
0x184: {  	[sflag:s11] =	ssyncadd.s32 $0xFFFF8000  }
0x185: {  	_ =	swait.ge [sflag:s7], $0x8000  }
0x186: {  	[sflag:s7] =	ssyncset.done $0x0  }
0x187: {  	[sflag:s7] =	ssyncadd.s32 $0xFFFF8000  }
0x188: {  	[tilespmem:s10], [sflag:$0x1] =	stream.indirect.gather [hbm4b:s3+s9], $0x800, s23, s9, $0xb8;
	[tilespmem:$0x10100] =	vst v63  }
0x189: {  	s26 =	rddreg [dreg:$0xa]  }
0x18a: {  	[hbm4b:s26+s2] =	stream.linear.scatter [tilespmem:s8], [sflag:$0x4], $0x8000, $0x38;
	[tilespmem:$0x10100] =	vst v63  }
0x18b: {  	_ =	swait.ge [sflag:s13], $0x8000  }
0x18c: {  	[sflag:s13] =	ssyncset.done $0x0  }
0x18d: {  	[sflag:s13] =	ssyncadd.s32 $0xFFFF8000  }
0x18e: {  	_ =	swait.ge [sflag:s6], $0x8000  }
0x18f: {  	[sflag:s6] =	ssyncset.done $0x0  }
0x190: {  	[sflag:s6] =	ssyncadd.s32 $0xFFFF8000  }
0x191: {  	[tilespmem:s8], [sflag:$0x2] =	stream.indirect.gather [hbm4b:s3+s9], $0x800, s22, s9, $0xb8;
	[tilespmem:$0x10100] =	vst v63  }
0x192: {  	s28 =	rddreg [dreg:$0xb]  }
0x193: {  	[hbm4b:s28+s2] =	stream.linear.scatter [tilespmem:s10], [sflag:$0x3], $0x8000, $0x38;
	[tilespmem:$0x10100] =	vst v63  }
0x194: {  	_ =	swait.ge [sflag:s11], $0x8000  }
0x195: {  	[sflag:s11] =	ssyncset.done $0x0  }
0x196: {  	[sflag:s11] =	ssyncadd.s32 $0xFFFF8000  }
0x197: {  	_ =	swait.ge [sflag:s7], $0x8000  }
0x198: {  	[sflag:s7] =	ssyncset.done $0x0  }
0x199: {  	[sflag:s7] =	ssyncadd.s32 $0xFFFF8000  }
0x19a: {  	[tilespmem:s10], [sflag:$0x1] =	stream.indirect.gather [hbm4b:s3+s9], $0x800, s21, s9, $0xb8;
	[tilespmem:$0x10100] =	vst v63  }
0x19b: {  	s29 =	rddreg [dreg:$0xc]  }
0x19c: {  	[hbm4b:s29+s2] =	stream.linear.scatter [tilespmem:s8], [sflag:$0x4], $0x8000, $0x38;
	[tilespmem:$0x10100] =	vst v63  }
0x19d: {  	_ =	swait.ge [sflag:s13], $0x8000  }
0x19e: {  	[sflag:s13] =	ssyncset.done $0x0  }
0x19f: {  	[sflag:s13] =	ssyncadd.s32 $0xFFFF8000  }
0x1a0: {  	_ =	swait.ge [sflag:s6], $0x8000  }
0x1a1: {  	[sflag:s6] =	ssyncset.done $0x0  }
0x1a2: {  	[sflag:s6] =	ssyncadd.s32 $0xFFFF8000  }
0x1a3: {  	[tilespmem:s8], [sflag:$0x2] =	stream.indirect.gather [hbm4b:s3+s9], $0x800, s20, s9, $0xb8;
	[tilespmem:$0x10100] =	vst v63  }
0x1a4: {  	s30 =	rddreg [dreg:$0xd]  }
0x1a5: {  	[hbm4b:s30+s2] =	stream.linear.scatter [tilespmem:s10], [sflag:$0x3], $0x8000, $0x38;
	[tilespmem:$0x10100] =	vst v63  }
0x1a6: {  	_ =	swait.ge [sflag:s11], $0x8000  }
0x1a7: {  	[sflag:s11] =	ssyncset.done $0x0  }
0x1a8: {  	[sflag:s11] =	ssyncadd.s32 $0xFFFF8000  }
0x1a9: {  	_ =	swait.ge [sflag:s7], $0x8000  }
0x1aa: {  	[sflag:s7] =	ssyncset.done $0x0  }
0x1ab: {  	[sflag:s7] =	ssyncadd.s32 $0xFFFF8000  }
0x1ac: {  	[tilespmem:s10], [sflag:$0x1] =	stream.indirect.gather [hbm4b:s3+s9], $0x800, s19, s9, $0xb8;
	[tilespmem:$0x10100] =	vst v63  }
0x1ad: {  	_ = 	snop  }
0x1ae: {  	[hbm4b:s15+s2] =	stream.linear.scatter [tilespmem:s8], [sflag:$0x4], $0x8000, $0x38;
	[tilespmem:$0x10100] =	vst v63  }
0x1af: {  	_ =	swait.ge [sflag:s13], $0x8000  }
0x1b0: {  	[sflag:s13] =	ssyncset.done $0x0  }
0x1b1: {  	[sflag:s13] =	ssyncadd.s32 $0xFFFF8000  }
0x1b2: {  	_ =	swait.ge [sflag:s6], $0x8000  }
0x1b3: {  	[sflag:s6] =	ssyncset.done $0x0  }
0x1b4: {  	[sflag:s6] =	ssyncadd.s32 $0xFFFF8000  }
0x1b5: {  	[tilespmem:s8], [sflag:$0x2] =	stream.indirect.gather [hbm4b:s3+s9], $0x800, s18, s9, $0xb8;
	[tilespmem:$0x10100] =	vst v63  }
0x1b6: {  	_ = 	snop  }
0x1b7: {  	[hbm4b:s14+s2] =	stream.linear.scatter [tilespmem:s10], [sflag:$0x3], $0x8000, $0x38;
	[tilespmem:$0x10100] =	vst v63  }
0x1b8: {  	_ =	swait.ge [sflag:s11], $0x8000  }
0x1b9: {  	[sflag:s11] =	ssyncset.done $0x0  }
0x1ba: {  	[sflag:s11] =	ssyncadd.s32 $0xFFFF8000  }
0x1bb: {  	_ =	swait.ge [sflag:s7], $0x8000  }
0x1bc: {  	[sflag:s7] =	ssyncset.done $0x0  }
0x1bd: {  	[sflag:s7] =	ssyncadd.s32 $0xFFFF8000  }
0x1be: {  	[tilespmem:s10], [sflag:$0x1] =	stream.indirect.gather [hbm4b:s3+s9], $0x800, s17, s9, $0xb8;
	[tilespmem:$0x10100] =	vst v63  }
0x1bf: {  	_ = 	snop  }
0x1c0: {  	[hbm4b:s12+s2] =	stream.linear.scatter [tilespmem:s8], [sflag:$0x4], $0x8000, $0x38;
	[tilespmem:$0x10100] =	vst v63  }
0x1c1: {  	_ =	swait.ge [sflag:s13], $0x8000  }
0x1c2: {  	[sflag:s13] =	ssyncset.done $0x0  }
0x1c3: {  	[sflag:s13] =	ssyncadd.s32 $0xFFFF8000  }
0x1c4: {  	_ =	swait.ge [sflag:s6], $0x8000  }
0x1c5: {  	[sflag:s6] =	ssyncset.done $0x0  }
0x1c6: {  	[sflag:s6] =	ssyncadd.s32 $0xFFFF8000  }
0x1c7: {  	[tilespmem:s8], [sflag:$0x2] =	stream.indirect.gather [hbm4b:s3+s9], $0x800, s16, s9, $0xb8;
	[tilespmem:$0x10100] =	vst v63  }
0x1c8: {  	_ = 	snop  }
0x1c9: {  	[hbm4b:s5+s2] =	stream.linear.scatter [tilespmem:s10], [sflag:$0x3], $0x8000, $0x38;
	[tilespmem:$0x10100] =	vst v63  }
0x1ca: {  	_ =	swait.ge [sflag:s11], $0x8000  }
0x1cb: {  	[sflag:s11] =	ssyncset.done $0x0  }
0x1cc: {  	[sflag:s11] =	ssyncadd.s32 $0xFFFF8000  }
0x1cd: {  	[hbm4b:s4+s2] =	stream.linear.scatter [tilespmem:s8], [sflag:$0x4], $0x8000, $0x38;
	[tilespmem:$0x10100] =	vst v63  }
0x1ce: {  	_ =	swait.ge [sflag:s7], $0x8000  }
0x1cf: {  	[sflag:s7] =	ssyncset.done $0x0  }
0x1d0: {  	[sflag:s7] =	ssyncadd.s32 $0xFFFF8000  }
0x1d1: {  	_ =	swait.ge [sflag:s6], $0x8000  }
0x1d2: {  	[sflag:s6] =	ssyncset.done $0x0  }
0x1d3: {  	[sflag:s6] =	ssyncadd.s32 $0xFFFF8000  }
0x1d4: {  	_ =	sfence.sel $0x180000  }
0x1d5: {  	[bflag:$0x0] =	sbarrier.arrive $0xFFFF  }
0x1d6: {  	_ =	strace $0x90000047  }
0x1d7: {  	s31 =	stileid.u32;
	[bflag:$0x2] =	sbarrier.arrive $0xFFFF  }
0x1d8: {  	p0 =	sne.s32 s31, $0x0;
	s0 =	rddreg [dreg:$0x1]  }
0x1d9: {  	s0 =	sadd.s32 @!p0 $0x100000, s0  }
0x1da: {  	[sflag:s0] =	ssyncadd.tile.s32 @!p0 $0x1;
	_ =	shalt  }
.Lfunc_end2:
_tile_overlayer_lowered:
.L_overlay_start_2:
0x1db: {  	(tag) =	ssettag $0x2  }
0x1dc: {  	s0 =	rddreg [dreg:$0x0];
	s2 =	stileid.u32  }
0x1dd: {  	s1 =	rddreg [dreg:$0x1];
	p0 =	sne.s32 s2, $0x0  }
0x1de: {  	s3 =	rddreg [dreg:$0x2];
	[bflag:$0x3] =	sbarrier.arrive $0xFFFF;
	s2 =	simm.s32 @!p0 $0x1C05  }
0x1df: {  	[timem:s3], [sflag:s2] =	dma.local @!p0 [hbm:s0], s1  }
0x1e0: {  	s0 =	simm.s32 @!p0 $0x5  }
0x1e1: {  	_ =	swait.ge @!p0 [sflag:s0], s1  }
0x1e2: {  	s1 =	ssub.s32 @!p0 $0x0, s1;
	[sflag:s0] =	ssyncset.done @!p0 $0x0  }
0x1e3: {  	[sflag:s0] =	ssyncadd.s32 @!p0 s1  }
0x1e4: {  	[bflag:$0x3] =	sbarrier.arrive $0xFFFF  }
0x1e5: {  	_ =	shalt  }

</sc_bundles>
